<compile_context>
chip_gen: v7x
topology: tpu7x:2x2x1
jax: 0.10.2.dev20260603
libtpu: 0.0.44.dev20260713+nightly
codegen_flags: <defaults>
</compile_context>

<pallas_src>
import functools

import jax
import jax.numpy as jnp
from jax import lax
from jax.experimental import pallas as pl
from jax.experimental.pallas import tpu as pltpu
from jax.experimental.pallas import tpu_sc as plsc

N = 10000
E = 320000
D_IN = 128
D_DEG = 16
D_OUT = 160

NC = 2
NS = 16
NW = NC * NS
EPW = E // NW
CHUNK = 80
NCHUNK = EPW // CHUNK
ROWS_FULL = 640
ROWS_TAIL = N - 15 * ROWS_FULL


def _edge_body(ei_hbm, w_hbm, feat_hbm, outh_hbm, outd_hbm,
               sidx_v, w_v, msgs16_v, msgsf_v, ones_v, zdeg_v,
               aggh_sh, aggd_sh, gsems, isems, hsems, dsems):
  c = lax.axis_index("c")
  s = lax.axis_index("s")
  wid = s * NC + c
  base = wid * EPW

  zero16 = jnp.zeros((16,), jnp.float32)
  one16 = jnp.ones((16,), jnp.float32)

  def initrow(i, carry):
    for d in range(D_IN // 16):
      msgsf_v[0, i, pl.ds(d * 16, 16)] = zero16
    ones_v[i, pl.ds(0, 16)] = one16
    zdeg_v[i, pl.ds(0, 16)] = zero16
    return carry

  lax.fori_loop(0, CHUNK, initrow, 0)

  @pl.when(s < NS - 1)
  def _():
    def zcopy(k, carry):
      pltpu.sync_copy(msgsf_v.at[0],
                      aggh_sh.at[pl.ds(s * ROWS_FULL + k * CHUNK, CHUNK)])
      pltpu.sync_copy(zdeg_v,
                      aggd_sh.at[pl.ds(s * ROWS_FULL + k * CHUNK, CHUNK)])
      return carry
    lax.fori_loop(0, ROWS_FULL // CHUNK, zcopy, 0)

  @pl.when(s == NS - 1)
  def _():
    def zcopy(k, carry):
      pltpu.sync_copy(msgsf_v.at[0],
                      aggh_sh.at[pl.ds(15 * ROWS_FULL + k * CHUNK, CHUNK)])
      pltpu.sync_copy(zdeg_v,
                      aggd_sh.at[pl.ds(15 * ROWS_FULL + k * CHUNK, CHUNK)])
      return carry
    lax.fori_loop(0, ROWS_TAIL // CHUNK, zcopy, 0)

  plsc.subcore_barrier()

  def gather(j):
    return pltpu.make_async_copy(feat_hbm.at[sidx_v.at[lax.rem(j, 4), 0]],
                                 msgs16_v.at[lax.rem(j, 3)],
                                 gsems.at[lax.rem(j, 3)])

  def idx_copy(j):
    return pltpu.make_async_copy(ei_hbm.at[:, pl.ds(base + j * CHUNK, CHUNK)],
                                 sidx_v.at[lax.rem(j, 4)],
                                 isems.at[lax.rem(j, 2)])

  def w_copy(j):
    return pltpu.make_async_copy(w_hbm.at[pl.ds(base + j * CHUNK, CHUNK)],
                                 w_v.at[pl.ds(lax.rem(j, 3) * CHUNK, CHUNK)],
                                 isems.at[lax.rem(j, 2)])

  def scat_h(j):
    return pltpu.make_async_copy(msgsf_v.at[lax.rem(j, 2)],
                                 aggh_sh.at[sidx_v.at[lax.rem(j, 4), 1]],
                                 hsems.at[lax.rem(j, 3)])

  def scat_d(j):
    return pltpu.make_async_copy(ones_v, aggd_sh.at[sidx_v.at[lax.rem(j, 4), 1]],
                                 dsems.at[lax.rem(j, 3)])

  pltpu.sync_copy(ei_hbm.at[:, pl.ds(base, CHUNK)], sidx_v.at[0])
  pltpu.sync_copy(w_hbm.at[pl.ds(base, CHUNK)], w_v.at[pl.ds(0, CHUNK)])
  gather(0).start()
  idx_copy(1).start()
  w_copy(1).start()
  idx_copy(1).wait()
  w_copy(1).wait()
  gather(1).start()
  idx_copy(2).start()
  w_copy(2).start()

  def chunk_body(j, carry):
    b = lax.rem(j, 2)

    @pl.when(j + 2 < NCHUNK)
    def _():
      idx_copy(j + 2).wait()
      w_copy(j + 2).wait()
      gather(j + 2).start()

    gather(j).wait()

    r3 = lax.rem(j, 3)
    @plsc.parallel_loop(0, CHUNK, unroll=4)
    def _(e):
      wv = plsc.load_gather(w_v, [jnp.full((16,), r3 * CHUNK + e, jnp.int32)])
      for k in range(D_IN // 32):
        x = msgs16_v[r3, e, pl.ds(k * 32, 32)]
        lo, hi = plsc.unpack(x, format=plsc.PackFormat.INTERLEAVED)
        msgsf_v[b, e, pl.ds(k * 32, 16)] = lo * wv
        msgsf_v[b, e, pl.ds(k * 32 + 16, 16)] = hi * wv

    @pl.when(j >= 1)
    def _():
      scat_h(j - 1).wait()
      scat_d(j - 1).wait()

    @pl.when(j + 3 < NCHUNK)
    def _():
      idx_copy(j + 3).start()
      w_copy(j + 3).start()

    scat_h(j).start(add=True)
    scat_d(j).start(add=True)
    return carry

  lax.fori_loop(0, NCHUNK, chunk_body, 0)

  scat_h(NCHUNK - 1).wait()
  scat_d(NCHUNK - 1).wait()

  plsc.subcore_barrier()

  @pl.when(s < NS - 1)
  def _():
    pltpu.sync_copy(aggh_sh.at[pl.ds(s * ROWS_FULL, ROWS_FULL)],
                    outh_hbm.at[c, pl.ds(s * ROWS_FULL, ROWS_FULL)])
    pltpu.sync_copy(aggd_sh.at[pl.ds(s * ROWS_FULL, ROWS_FULL)],
                    outd_hbm.at[c, pl.ds(s * ROWS_FULL, ROWS_FULL)])

  @pl.when(s == NS - 1)
  def _():
    pltpu.sync_copy(aggh_sh.at[pl.ds(15 * ROWS_FULL, ROWS_TAIL)],
                    outh_hbm.at[c, pl.ds(15 * ROWS_FULL, ROWS_TAIL)])
    pltpu.sync_copy(aggd_sh.at[pl.ds(15 * ROWS_FULL, ROWS_TAIL)],
                    outd_hbm.at[c, pl.ds(15 * ROWS_FULL, ROWS_TAIL)])


@functools.cache
def _edge_kernel():
  return pl.kernel(
      _edge_body,
      out_type=[
          jax.ShapeDtypeStruct((NC, N, D_IN), jnp.float32),
          jax.ShapeDtypeStruct((NC, N, D_DEG), jnp.float32),
      ],
      mesh=plsc.VectorSubcoreMesh(core_axis_name="c", subcore_axis_name="s",
                                  num_cores=NC, num_subcores=NS),
      compiler_params=pltpu.CompilerParams(needs_layout_passes=False,
                                           use_tc_tiling_on_sc=False),
      scratch_types=[
          pltpu.VMEM((4, 2, CHUNK), jnp.int32),
          pltpu.VMEM((3 * CHUNK,), jnp.float32),
          pltpu.VMEM((3, CHUNK, D_IN), jnp.bfloat16),
          pltpu.VMEM((2, CHUNK, D_IN), jnp.float32),
          pltpu.VMEM((CHUNK, D_DEG), jnp.float32),
          pltpu.VMEM((CHUNK, D_DEG), jnp.float32),
          pltpu.VMEM_SHARED((N, D_IN), jnp.float32),
          pltpu.VMEM_SHARED((N, D_DEG), jnp.float32),
          pltpu.SemaphoreType.DMA((2,)),
          pltpu.SemaphoreType.DMA((2,)),
          pltpu.SemaphoreType.DMA((3,)),
          pltpu.SemaphoreType.DMA((3,)),
      ],
  )


def _dense_body(feat_ref, h2_any, deg2_any, wself_ref, wneigh_ref, bsage_ref,
                gamma_ref, beta_ref, wfc_ref, bfc_ref, out_ref,
                h2_ref, deg2_ref, sem):
  pltpu.async_copy(h2_any, h2_ref, sem).wait()
  pltpu.async_copy(deg2_any, deg2_ref, sem).wait()
  h = h2_ref[0] + h2_ref[1]
  deg = deg2_ref[0, :, 0:1] + deg2_ref[1, :, 0:1]
  inv = 1.0 / jnp.maximum(deg, 1.0)
  h_neigh = jnp.dot(h * inv, wneigh_ref[...].T,
                    preferred_element_type=jnp.float32)
  rst = jnp.dot(feat_ref[...], wself_ref[...].T,
                preferred_element_type=jnp.float32)
  rst = rst + h_neigh + bsage_ref[...][None, :]
  rst = jnp.maximum(rst, 0.0)
  mean = jnp.mean(rst, axis=0, keepdims=True)
  var = jnp.mean((rst - mean) * (rst - mean), axis=0, keepdims=True)
  rst = (rst - mean) * jax.lax.rsqrt(var + 1e-5)
  rst = rst * gamma_ref[...][None, :] + beta_ref[...][None, :]
  out_ref[...] = jnp.dot(rst, wfc_ref[...].T,
                         preferred_element_type=jnp.float32) + bfc_ref[...][None, :]


_UNPACK_PERM = [32 * (q // 32) + 2 * (q % 32) if q % 32 < 16
                else 32 * (q // 32) + 2 * (q % 32 - 16) + 1
                for q in range(D_IN)]


def kernel(features, edge_weight, W_self, W_neigh, b_sage, bn_gamma, bn_beta,
           W_fc, b_fc, edge_index):
  feat16 = features.astype(jnp.bfloat16)

  h2, deg2 = _edge_kernel()(edge_index, edge_weight, feat16)

  wneigh_p = W_neigh[:, jnp.array(_UNPACK_PERM, jnp.int32)]

  vspec = pl.BlockSpec(memory_space=pltpu.VMEM)
  out = pl.pallas_call(
      _dense_body,
      out_shape=jax.ShapeDtypeStruct((N, D_OUT), jnp.float32),
      in_specs=[vspec,
                pl.BlockSpec(memory_space=pl.ANY),
                pl.BlockSpec(memory_space=pl.ANY),
                vspec, vspec, vspec, vspec, vspec, vspec, vspec],
      scratch_shapes=[
          pltpu.VMEM((NC, N, D_IN), jnp.float32),
          pltpu.VMEM((NC, N, D_DEG), jnp.float32),
          pltpu.SemaphoreType.DMA,
      ],
  )(features, h2, deg2, W_self, wneigh_p, b_sage, bn_gamma, bn_beta, W_fc, b_fc)
  return out

# --- scband reference (transcript-rebuilt; emitter-appended) ---
"""Pipeline reference for scband-graph-convolutional-network-57415122812990 (READ-ONLY COPY).

The authoritative reference and input builder live on the scoring server;
editing this copy changes nothing except your own understanding.
"""

import jax, jax.numpy as jnp
import numpy as np

N = 10000
E = 320000
D_IN = 128
D_HID = 128
D_OUT = 160


def setup_inputs(seed: int = 0) -> dict:
    key = jax.random.key(seed)
    ks = jax.random.split(key, 10)
    features = jax.random.normal(ks[0], (N, D_IN), dtype=jnp.float32)
    edge_index = jax.random.randint(ks[1], (2, E), 0, N, dtype=jnp.int64 if jax.config.jax_enable_x64 else jnp.int32).astype(jnp.int32)
    edge_weight = jax.random.uniform(ks[2], (E,), dtype=jnp.float32)
    # SAGEConv params (DGL: fc_self / fc_neigh bias=False, shared bias term)
    W_self = jax.random.normal(ks[3], (D_HID, D_IN), dtype=jnp.float32) * 0.05
    W_neigh = jax.random.normal(ks[4], (D_HID, D_IN), dtype=jnp.float32) * 0.05
    b_sage = jnp.zeros((D_HID,), dtype=jnp.float32)
    # BatchNorm1d params
    bn_gamma = jnp.ones((D_HID,), dtype=jnp.float32)
    bn_beta = jnp.zeros((D_HID,), dtype=jnp.float32)
    # final Linear(hidden, 160)
    W_fc = jax.random.normal(ks[5], (D_OUT, D_HID), dtype=jnp.float32) * 0.05
    b_fc = jnp.zeros((D_OUT,), dtype=jnp.float32)
    return {
        "features": features,
        "edge_weight": edge_weight,
        "W_self": W_self,
        "W_neigh": W_neigh,
        "b_sage": b_sage,
        "bn_gamma": bn_gamma,
        "bn_beta": bn_beta,
        "W_fc": W_fc,
        "b_fc": b_fc,
        "edge_index": edge_index,
    }


def reference(features, edge_weight, W_self, W_neigh, b_sage, bn_gamma, bn_beta, W_fc, b_fc, edge_index):
    src = edge_index[0]
    dst = edge_index[1]
    n = features.shape[0]
    # DGL SAGEConv mean aggregator with edge_weight:
    # m_e = w_e * x_src ; h_neigh[v] = sum_e m_e / in_degree(v)
    msgs = edge_weight[:, None] * jnp.take(features, src, axis=0)
    agg = jax.ops.segment_sum(msgs, dst, num_segments=n)
    deg = jax.ops.segment_sum(jnp.ones_like(edge_weight), dst, num_segments=n)
    h_neigh = agg / jnp.clip(deg, 1.0)[:, None]
    # lin_before_mp is False (in_feats <= out_feats): fc_neigh after aggregation
    h_neigh = h_neigh @ W_neigh.T
    rst = features @ W_self.T + h_neigh + b_sage
    # activation then norm (DGL SAGEConv order)
    rst = jax.nn.relu(rst)
    mean = jnp.mean(rst, axis=0)
    var = jnp.var(rst, axis=0)
    rst = (rst - mean) / jnp.sqrt(var + 1e-5) * bn_gamma + bn_beta
    out = rst @ W_fc.T + b_fc
    return out

if __name__ == "__main__":
    import jax
    _d = setup_inputs()
    print(jax.jit(kernel)(*tuple(_d.values())))

</pallas_src>

<mosaic_0001>
#map = affine_map<(d0, d1) -> (0, 0)>
#map1 = affine_map<(d0, d1) -> (0)>
#map2 = affine_map<(d0, d1) -> (0, 0, 0)>
module attributes {stable_mosaic.version = 14 : i64} {
  func.func @_edge_body(%arg0: i32, %arg1: i32, %arg2: memref<2x320000xi32, #tpu.memory_space<hbm>>, %arg3: memref<320000xf32, #tpu.memory_space<hbm>>, %arg4: memref<10000x128xbf16, #tpu.memory_space<hbm>>, %arg5: memref<2x10000x128xf32, #tpu.memory_space<hbm>>, %arg6: memref<2x10000x16xf32, #tpu.memory_space<hbm>>, %arg7: memref<4x2x80xi32, #tpu.memory_space<vmem>>, %arg8: memref<240xf32, #tpu.memory_space<vmem>>, %arg9: memref<3x80x128xbf16, #tpu.memory_space<vmem>>, %arg10: memref<2x80x128xf32, #tpu.memory_space<vmem>>, %arg11: memref<80x16xf32, #tpu.memory_space<vmem>>, %arg12: memref<80x16xf32, #tpu.memory_space<vmem>>, %arg13: memref<10000x128xf32, #tpu.memory_space<vmem_shared>>, %arg14: memref<10000x16xf32, #tpu.memory_space<vmem_shared>>, %arg15: memref<2x!tpu.dma_semaphore, #tpu.memory_space<semaphore_mem>>, %arg16: memref<2x!tpu.dma_semaphore, #tpu.memory_space<semaphore_mem>>, %arg17: memref<3x!tpu.dma_semaphore, #tpu.memory_space<semaphore_mem>>, %arg18: memref<3x!tpu.dma_semaphore, #tpu.memory_space<semaphore_mem>>) attributes {dimension_semantics = [#tpu.dimension_semantics<core_parallel>, #tpu.dimension_semantics<subcore_parallel>], iteration_bounds = array<i64: 2, 16>, scalar_prefetch = 0 : i64, scratch_operands = 12 : i64, tpu.core_type = #tpu.core_type<sc_vector_subcore>, window_params = [{transform_indices = #map}, {transform_indices = #map1}, {transform_indices = #map}, {transform_indices = #map2}, {transform_indices = #map2}]} {
    %mul3A = arith.constant 2 : i32
    %mul3A_0 = arith.muli %arg1, %mul3A : i32
    %add3A = arith.addi %mul3A_0, %arg0 : i32
    %mul3A_1 = arith.constant 10000 : i32
    %mul3A_2 = arith.muli %add3A, %mul3A_1 : i32
    %broadcast_in_dim3A = arith.constant 0.000000e+00 : f32
    %broadcast_in_dim3A_3 = vector.broadcast %broadcast_in_dim3A : f32 to vector<16xf32>
    %broadcast_in_dim3A_4 = arith.constant 1.000000e+00 : f32
    %broadcast_in_dim3A_5 = vector.broadcast %broadcast_in_dim3A_4 : f32 to vector<16xf32>
    %scan3A = arith.constant 0 : i32
    %scan3A_6 = arith.constant 0 : i32
    %scan3A_7 = arith.constant 80 : i32
    %scan3A_8 = arith.addi %scan3A_6, %scan3A_7 : i32
    %scan3A_9 = arith.constant 1 : i32
    scf.for %scan3A_226 = %scan3A_6 to %scan3A_8 step %scan3A_9  : i32 {
      %swap3A = arith.constant 0 : i32
      %swap3A_227 = arith.index_cast %swap3A : i32 to index
      %swap3A_228 = arith.index_cast %scan3A_226 : i32 to index
      %swap3A_229 = arith.constant 0 : index
      %swap3A_230 = tpu.vector_load %arg10[%swap3A_227, %swap3A_228, %swap3A_229] {strides = array<i32>} : memref<2x80x128xf32, #tpu.memory_space<vmem>>, vector<16xf32>,
      tpu.vector_store %arg10[%swap3A_227, %swap3A_228, %swap3A_229], %broadcast_in_dim3A_3 {strides = array<i32>} : memref<2x80x128xf32, #tpu.memory_space<vmem>>, vector<16xf32>,
      %swap3A_231 = arith.constant 0 : i32
      %swap3A_232 = arith.index_cast %swap3A_231 : i32 to index
      %swap3A_233 = arith.index_cast %scan3A_226 : i32 to index
      %swap3A_234 = arith.constant 16 : index
      %swap3A_235 = tpu.vector_load %arg10[%swap3A_232, %swap3A_233, %swap3A_234] {strides = array<i32>} : memref<2x80x128xf32, #tpu.memory_space<vmem>>, vector<16xf32>,
      tpu.vector_store %arg10[%swap3A_232, %swap3A_233, %swap3A_234], %broadcast_in_dim3A_3 {strides = array<i32>} : memref<2x80x128xf32, #tpu.memory_space<vmem>>, vector<16xf32>,
      %swap3A_236 = arith.constant 0 : i32
      %swap3A_237 = arith.index_cast %swap3A_236 : i32 to index
      %swap3A_238 = arith.index_cast %scan3A_226 : i32 to index
      %swap3A_239 = arith.constant 32 : index
      %swap3A_240 = tpu.vector_load %arg10[%swap3A_237, %swap3A_238, %swap3A_239] {strides = array<i32>} : memref<2x80x128xf32, #tpu.memory_space<vmem>>, vector<16xf32>,
      tpu.vector_store %arg10[%swap3A_237, %swap3A_238, %swap3A_239], %broadcast_in_dim3A_3 {strides = array<i32>} : memref<2x80x128xf32, #tpu.memory_space<vmem>>, vector<16xf32>,
      %swap3A_241 = arith.constant 0 : i32
      %swap3A_242 = arith.index_cast %swap3A_241 : i32 to index
      %swap3A_243 = arith.index_cast %scan3A_226 : i32 to index
      %swap3A_244 = arith.constant 48 : index
      %swap3A_245 = tpu.vector_load %arg10[%swap3A_242, %swap3A_243, %swap3A_244] {strides = array<i32>} : memref<2x80x128xf32, #tpu.memory_space<vmem>>, vector<16xf32>,
      tpu.vector_store %arg10[%swap3A_242, %swap3A_243, %swap3A_244], %broadcast_in_dim3A_3 {strides = array<i32>} : memref<2x80x128xf32, #tpu.memory_space<vmem>>, vector<16xf32>,
      %swap3A_246 = arith.constant 0 : i32
      %swap3A_247 = arith.index_cast %swap3A_246 : i32 to index
      %swap3A_248 = arith.index_cast %scan3A_226 : i32 to index
      %swap3A_249 = arith.constant 64 : index
      %swap3A_250 = tpu.vector_load %arg10[%swap3A_247, %swap3A_248, %swap3A_249] {strides = array<i32>} : memref<2x80x128xf32, #tpu.memory_space<vmem>>, vector<16xf32>,
      tpu.vector_store %arg10[%swap3A_247, %swap3A_248, %swap3A_249], %broadcast_in_dim3A_3 {strides = array<i32>} : memref<2x80x128xf32, #tpu.memory_space<vmem>>, vector<16xf32>,
      %swap3A_251 = arith.constant 0 : i32
      %swap3A_252 = arith.index_cast %swap3A_251 : i32 to index
      %swap3A_253 = arith.index_cast %scan3A_226 : i32 to index
      %swap3A_254 = arith.constant 80 : index
      %swap3A_255 = tpu.vector_load %arg10[%swap3A_252, %swap3A_253, %swap3A_254] {strides = array<i32>} : memref<2x80x128xf32, #tpu.memory_space<vmem>>, vector<16xf32>,
      tpu.vector_store %arg10[%swap3A_252, %swap3A_253, %swap3A_254], %broadcast_in_dim3A_3 {strides = array<i32>} : memref<2x80x128xf32, #tpu.memory_space<vmem>>, vector<16xf32>,
      %swap3A_256 = arith.constant 0 : i32
      %swap3A_257 = arith.index_cast %swap3A_256 : i32 to index
      %swap3A_258 = arith.index_cast %scan3A_226 : i32 to index
      %swap3A_259 = arith.constant 96 : index
      %swap3A_260 = tpu.vector_load %arg10[%swap3A_257, %swap3A_258, %swap3A_259] {strides = array<i32>} : memref<2x80x128xf32, #tpu.memory_space<vmem>>, vector<16xf32>,
      tpu.vector_store %arg10[%swap3A_257, %swap3A_258, %swap3A_259], %broadcast_in_dim3A_3 {strides = array<i32>} : memref<2x80x128xf32, #tpu.memory_space<vmem>>, vector<16xf32>,
      %swap3A_261 = arith.constant 0 : i32
      %swap3A_262 = arith.index_cast %swap3A_261 : i32 to index
      %swap3A_263 = arith.index_cast %scan3A_226 : i32 to index
      %swap3A_264 = arith.constant 112 : index
      %swap3A_265 = tpu.vector_load %arg10[%swap3A_262, %swap3A_263, %swap3A_264] {strides = array<i32>} : memref<2x80x128xf32, #tpu.memory_space<vmem>>, vector<16xf32>,
      tpu.vector_store %arg10[%swap3A_262, %swap3A_263, %swap3A_264], %broadcast_in_dim3A_3 {strides = array<i32>} : memref<2x80x128xf32, #tpu.memory_space<vmem>>, vector<16xf32>,
      %swap3A_266 = arith.index_cast %scan3A_226 : i32 to index
      %swap3A_267 = arith.constant 0 : index
      %swap3A_268 = tpu.vector_load %arg11[%swap3A_266, %swap3A_267] {strides = array<i32>} : memref<80x16xf32, #tpu.memory_space<vmem>>, vector<16xf32>,
      tpu.vector_store %arg11[%swap3A_266, %swap3A_267], %broadcast_in_dim3A_5 {strides = array<i32>} : memref<80x16xf32, #tpu.memory_space<vmem>>, vector<16xf32>,
      %swap3A_269 = arith.index_cast %scan3A_226 : i32 to index
      %swap3A_270 = arith.constant 0 : index
      %swap3A_271 = tpu.vector_load %arg12[%swap3A_269, %swap3A_270] {strides = array<i32>} : memref<80x16xf32, #tpu.memory_space<vmem>>, vector<16xf32>,
      tpu.vector_store %arg12[%swap3A_269, %swap3A_270], %broadcast_in_dim3A_3 {strides = array<i32>} : memref<80x16xf32, #tpu.memory_space<vmem>>, vector<16xf32>,
    }
    %scan3A_10 = arith.constant 80 : i32
    %lt3A = arith.constant 15 : i32
    %lt3A_11 = arith.cmpi slt, %arg1, %lt3A : i32
    %convert_element_type3A = arith.extui %lt3A_11 : i1 to i32
    %cond3A = arith.constant 0 : i32
    %cond3A_12 = arith.cmpi ne, %convert_element_type3A, %cond3A : i32
    scf.if %cond3A_12 {
      %scan3A_226 = arith.constant 0 : i32
      %scan3A_227 = arith.constant 0 : i32
      %scan3A_228 = arith.constant 8 : i32
      %scan3A_229 = arith.addi %scan3A_227, %scan3A_228 : i32
      %scan3A_230 = arith.constant 1 : i32
      scf.for %scan3A_232 = %scan3A_227 to %scan3A_229 step %scan3A_230  : i32 {
        %mul3A_233 = arith.constant 640 : i32
        %mul3A_234 = arith.muli %arg1, %mul3A_233 : i32
        %mul3A_235 = arith.constant 80 : i32
        %mul3A_236 = arith.muli %scan3A_232, %mul3A_235 : i32
        %add3A_237 = arith.addi %mul3A_234, %mul3A_236 : i32
        %run_scoped3A_238 = arith.constant 0 : i32
        "tpu.region"() ({
          %run_scoped3A_244 = tpu.sem_alloc : memref<!tpu.dma_semaphore, #tpu.memory_space<semaphore_mem>>
          %dma_start3A_245 = arith.constant 0 : i32
          %dma_start3A_246 = arith.constant 0 : i32
          %dma_start3A_247 = tpu.memref_slice %arg10[%run_scoped3A_238, %dma_start3A_245, %dma_start3A_246] : memref<2x80x128xf32, #tpu.memory_space<vmem>> -> memref<1x80x128xf32, #tpu.memory_space<vmem>>
          %dma_start3A_248 = tpu.memref_squeeze %dma_start3A_247 : memref<1x80x128xf32, #tpu.memory_space<vmem>> -> memref<80x128xf32, #tpu.memory_space<vmem>>
          %dma_start3A_249 = arith.constant 0 : i32
          %dma_start3A_250 = tpu.memref_slice %arg13[%add3A_237, %dma_start3A_249] : memref<10000x128xf32, #tpu.memory_space<vmem_shared>> -> memref<80x128xf32, #tpu.memory_space<vmem_shared>>
          %dma_start3A_251 = arith.constant 0 : i32
          %dma_start3A_252 = tpu.memref_slice %arg13[%add3A_237, %dma_start3A_251] : memref<10000x128xf32, #tpu.memory_space<vmem_shared>> -> memref<80x128xf32, #tpu.memory_space<vmem_shared>>
          %dma_start3A_253 = arith.constant 0 : i32
          %dma_start3A_254 = arith.constant 0 : i32
          %dma_start3A_255 = tpu.memref_slice %arg10[%run_scoped3A_238, %dma_start3A_253, %dma_start3A_254] : memref<2x80x128xf32, #tpu.memory_space<vmem>> -> memref<1x80x128xf32, #tpu.memory_space<vmem>>
          %dma_start3A_256 = tpu.memref_squeeze %dma_start3A_255 : memref<1x80x128xf32, #tpu.memory_space<vmem>> -> memref<80x128xf32, #tpu.memory_space<vmem>>
          tpu.enqueue_dma source(%dma_start3A_256 : memref<80x128xf32, #tpu.memory_space<vmem>>) target(%dma_start3A_252 : memref<80x128xf32, #tpu.memory_space<vmem_shared>>) target_semaphore(%run_scoped3A_244 : memref<!tpu.dma_semaphore, #tpu.memory_space<semaphore_mem>>)
          %dma_wait3A_257 = arith.constant 0 : i32
          %dma_wait3A_258 = arith.constant 0 : i32
          %dma_wait3A_259 = tpu.memref_slice %arg10[%run_scoped3A_238, %dma_wait3A_257, %dma_wait3A_258] : memref<2x80x128xf32, #tpu.memory_space<vmem>> -> memref<1x80x128xf32, #tpu.memory_space<vmem>>
          %dma_wait3A_260 = tpu.memref_squeeze %dma_wait3A_259 : memref<1x80x128xf32, #tpu.memory_space<vmem>> -> memref<80x128xf32, #tpu.memory_space<vmem>>
          %dma_wait3A_261 = arith.constant 0 : i32
          %dma_wait3A_262 = tpu.memref_slice %arg13[%add3A_237, %dma_wait3A_261] : memref<10000x128xf32, #tpu.memory_space<vmem_shared>> -> memref<80x128xf32, #tpu.memory_space<vmem_shared>>
          %dma_wait3A_263 = arith.constant 0 : i32
          %dma_wait3A_264 = tpu.memref_slice %arg13[%add3A_237, %dma_wait3A_263] : memref<10000x128xf32, #tpu.memory_space<vmem_shared>> -> memref<80x128xf32, #tpu.memory_space<vmem_shared>>
          %dma_wait3A_265 = arith.constant 0 : i32
          %dma_wait3A_266 = arith.constant 0 : i32
          %dma_wait3A_267 = tpu.memref_slice %arg10[%run_scoped3A_238, %dma_wait3A_265, %dma_wait3A_266] : memref<2x80x128xf32, #tpu.memory_space<vmem>> -> memref<1x80x128xf32, #tpu.memory_space<vmem>>
          %dma_wait3A_268 = tpu.memref_squeeze %dma_wait3A_267 : memref<1x80x128xf32, #tpu.memory_space<vmem>> -> memref<80x128xf32, #tpu.memory_space<vmem>>
          tpu.wait_dma2 semaphore(%run_scoped3A_244 : memref<!tpu.dma_semaphore, #tpu.memory_space<semaphore_mem>>) src(%dma_wait3A_268 : memref<80x128xf32, #tpu.memory_space<vmem>>) dst(%dma_wait3A_264 : memref<80x128xf32, #tpu.memory_space<vmem_shared>>)
          tpu.yield
        }) : () -> ()
        %mul3A_239 = arith.constant 640 : i32
        %mul3A_240 = arith.muli %arg1, %mul3A_239 : i32
        %mul3A_241 = arith.constant 80 : i32
        %mul3A_242 = arith.muli %scan3A_232, %mul3A_241 : i32
        %add3A_243 = arith.addi %mul3A_240, %mul3A_242 : i32
        "tpu.region"() ({
          %run_scoped3A_244 = tpu.sem_alloc : memref<!tpu.dma_semaphore, #tpu.memory_space<semaphore_mem>>
          %dma_start3A_245 = arith.constant 0 : i32
          %dma_start3A_246 = tpu.memref_slice %arg14[%add3A_243, %dma_start3A_245] : memref<10000x16xf32, #tpu.memory_space<vmem_shared>> -> memref<80x16xf32, #tpu.memory_space<vmem_shared>>
          %dma_start3A_247 = arith.constant 0 : i32
          %dma_start3A_248 = tpu.memref_slice %arg14[%add3A_243, %dma_start3A_247] : memref<10000x16xf32, #tpu.memory_space<vmem_shared>> -> memref<80x16xf32, #tpu.memory_space<vmem_shared>>
          tpu.enqueue_dma source(%arg12 : memref<80x16xf32, #tpu.memory_space<vmem>>) target(%dma_start3A_248 : memref<80x16xf32, #tpu.memory_space<vmem_shared>>) target_semaphore(%run_scoped3A_244 : memref<!tpu.dma_semaphore, #tpu.memory_space<semaphore_mem>>)
          %dma_wait3A_249 = arith.constant 0 : i32
          %dma_wait3A_250 = tpu.memref_slice %arg14[%add3A_243, %dma_wait3A_249] : memref<10000x16xf32, #tpu.memory_space<vmem_shared>> -> memref<80x16xf32, #tpu.memory_space<vmem_shared>>
          %dma_wait3A_251 = arith.constant 0 : i32
          %dma_wait3A_252 = tpu.memref_slice %arg14[%add3A_243, %dma_wait3A_251] : memref<10000x16xf32, #tpu.memory_space<vmem_shared>> -> memref<80x16xf32, #tpu.memory_space<vmem_shared>>
          tpu.wait_dma2 semaphore(%run_scoped3A_244 : memref<!tpu.dma_semaphore, #tpu.memory_space<semaphore_mem>>) src(%arg12 : memref<80x16xf32, #tpu.memory_space<vmem>>) dst(%dma_wait3A_252 : memref<80x16xf32, #tpu.memory_space<vmem_shared>>)
          tpu.yield
        }) : () -> ()
      }
      %scan3A_231 = arith.constant 8 : i32
    } else {
    }
    %eq3A = arith.constant 15 : i32
    %eq3A_13 = arith.cmpi eq, %arg1, %eq3A : i32
    %convert_element_type3A_14 = arith.extui %eq3A_13 : i1 to i32
    %cond3A_15 = arith.constant 0 : i32
    %cond3A_16 = arith.cmpi ne, %convert_element_type3A_14, %cond3A_15 : i32
    scf.if %cond3A_16 {
      %scan3A_226 = arith.constant 0 : i32
      %scan3A_227 = arith.constant 0 : i32
      %scan3A_228 = arith.constant 5 : i32
      %scan3A_229 = arith.addi %scan3A_227, %scan3A_228 : i32
      %scan3A_230 = arith.constant 1 : i32
      scf.for %scan3A_232 = %scan3A_227 to %scan3A_229 step %scan3A_230  : i32 {
        %mul3A_233 = arith.constant 80 : i32
        %mul3A_234 = arith.muli %scan3A_232, %mul3A_233 : i32
        %add3A_235 = arith.constant 9600 : i32
        %add3A_236 = arith.addi %add3A_235, %mul3A_234 : i32
        %run_scoped3A_237 = arith.constant 0 : i32
        "tpu.region"() ({
          %run_scoped3A_242 = tpu.sem_alloc : memref<!tpu.dma_semaphore, #tpu.memory_space<semaphore_mem>>
          %dma_start3A_243 = arith.constant 0 : i32
          %dma_start3A_244 = arith.constant 0 : i32
          %dma_start3A_245 = tpu.memref_slice %arg10[%run_scoped3A_237, %dma_start3A_243, %dma_start3A_244] : memref<2x80x128xf32, #tpu.memory_space<vmem>> -> memref<1x80x128xf32, #tpu.memory_space<vmem>>
          %dma_start3A_246 = tpu.memref_squeeze %dma_start3A_245 : memref<1x80x128xf32, #tpu.memory_space<vmem>> -> memref<80x128xf32, #tpu.memory_space<vmem>>
          %dma_start3A_247 = arith.constant 0 : i32
          %dma_start3A_248 = tpu.memref_slice %arg13[%add3A_236, %dma_start3A_247] : memref<10000x128xf32, #tpu.memory_space<vmem_shared>> -> memref<80x128xf32, #tpu.memory_space<vmem_shared>>
          %dma_start3A_249 = arith.constant 0 : i32
          %dma_start3A_250 = tpu.memref_slice %arg13[%add3A_236, %dma_start3A_249] : memref<10000x128xf32, #tpu.memory_space<vmem_shared>> -> memref<80x128xf32, #tpu.memory_space<vmem_shared>>
          %dma_start3A_251 = arith.constant 0 : i32
          %dma_start3A_252 = arith.constant 0 : i32
          %dma_start3A_253 = tpu.memref_slice %arg10[%run_scoped3A_237, %dma_start3A_251, %dma_start3A_252] : memref<2x80x128xf32, #tpu.memory_space<vmem>> -> memref<1x80x128xf32, #tpu.memory_space<vmem>>
          %dma_start3A_254 = tpu.memref_squeeze %dma_start3A_253 : memref<1x80x128xf32, #tpu.memory_space<vmem>> -> memref<80x128xf32, #tpu.memory_space<vmem>>
          tpu.enqueue_dma source(%dma_start3A_254 : memref<80x128xf32, #tpu.memory_space<vmem>>) target(%dma_start3A_250 : memref<80x128xf32, #tpu.memory_space<vmem_shared>>) target_semaphore(%run_scoped3A_242 : memref<!tpu.dma_semaphore, #tpu.memory_space<semaphore_mem>>)
          %dma_wait3A_255 = arith.constant 0 : i32
          %dma_wait3A_256 = arith.constant 0 : i32
          %dma_wait3A_257 = tpu.memref_slice %arg10[%run_scoped3A_237, %dma_wait3A_255, %dma_wait3A_256] : memref<2x80x128xf32, #tpu.memory_space<vmem>> -> memref<1x80x128xf32, #tpu.memory_space<vmem>>
          %dma_wait3A_258 = tpu.memref_squeeze %dma_wait3A_257 : memref<1x80x128xf32, #tpu.memory_space<vmem>> -> memref<80x128xf32, #tpu.memory_space<vmem>>
          %dma_wait3A_259 = arith.constant 0 : i32
          %dma_wait3A_260 = tpu.memref_slice %arg13[%add3A_236, %dma_wait3A_259] : memref<10000x128xf32, #tpu.memory_space<vmem_shared>> -> memref<80x128xf32, #tpu.memory_space<vmem_shared>>
          %dma_wait3A_261 = arith.constant 0 : i32
          %dma_wait3A_262 = tpu.memref_slice %arg13[%add3A_236, %dma_wait3A_261] : memref<10000x128xf32, #tpu.memory_space<vmem_shared>> -> memref<80x128xf32, #tpu.memory_space<vmem_shared>>
          %dma_wait3A_263 = arith.constant 0 : i32
          %dma_wait3A_264 = arith.constant 0 : i32
          %dma_wait3A_265 = tpu.memref_slice %arg10[%run_scoped3A_237, %dma_wait3A_263, %dma_wait3A_264] : memref<2x80x128xf32, #tpu.memory_space<vmem>> -> memref<1x80x128xf32, #tpu.memory_space<vmem>>
          %dma_wait3A_266 = tpu.memref_squeeze %dma_wait3A_265 : memref<1x80x128xf32, #tpu.memory_space<vmem>> -> memref<80x128xf32, #tpu.memory_space<vmem>>
          tpu.wait_dma2 semaphore(%run_scoped3A_242 : memref<!tpu.dma_semaphore, #tpu.memory_space<semaphore_mem>>) src(%dma_wait3A_266 : memref<80x128xf32, #tpu.memory_space<vmem>>) dst(%dma_wait3A_262 : memref<80x128xf32, #tpu.memory_space<vmem_shared>>)
          tpu.yield
        }) : () -> ()
        %mul3A_238 = arith.constant 80 : i32
        %mul3A_239 = arith.muli %scan3A_232, %mul3A_238 : i32
        %add3A_240 = arith.constant 9600 : i32
        %add3A_241 = arith.addi %add3A_240, %mul3A_239 : i32
        "tpu.region"() ({
          %run_scoped3A_242 = tpu.sem_alloc : memref<!tpu.dma_semaphore, #tpu.memory_space<semaphore_mem>>
          %dma_start3A_243 = arith.constant 0 : i32
          %dma_start3A_244 = tpu.memref_slice %arg14[%add3A_241, %dma_start3A_243] : memref<10000x16xf32, #tpu.memory_space<vmem_shared>> -> memref<80x16xf32, #tpu.memory_space<vmem_shared>>
          %dma_start3A_245 = arith.constant 0 : i32
          %dma_start3A_246 = tpu.memref_slice %arg14[%add3A_241, %dma_start3A_245] : memref<10000x16xf32, #tpu.memory_space<vmem_shared>> -> memref<80x16xf32, #tpu.memory_space<vmem_shared>>
          tpu.enqueue_dma source(%arg12 : memref<80x16xf32, #tpu.memory_space<vmem>>) target(%dma_start3A_246 : memref<80x16xf32, #tpu.memory_space<vmem_shared>>) target_semaphore(%run_scoped3A_242 : memref<!tpu.dma_semaphore, #tpu.memory_space<semaphore_mem>>)
          %dma_wait3A_247 = arith.constant 0 : i32
          %dma_wait3A_248 = tpu.memref_slice %arg14[%add3A_241, %dma_wait3A_247] : memref<10000x16xf32, #tpu.memory_space<vmem_shared>> -> memref<80x16xf32, #tpu.memory_space<vmem_shared>>
          %dma_wait3A_249 = arith.constant 0 : i32
          %dma_wait3A_250 = tpu.memref_slice %arg14[%add3A_241, %dma_wait3A_249] : memref<10000x16xf32, #tpu.memory_space<vmem_shared>> -> memref<80x16xf32, #tpu.memory_space<vmem_shared>>
          tpu.wait_dma2 semaphore(%run_scoped3A_242 : memref<!tpu.dma_semaphore, #tpu.memory_space<semaphore_mem>>) src(%arg12 : memref<80x16xf32, #tpu.memory_space<vmem>>) dst(%dma_wait3A_250 : memref<80x16xf32, #tpu.memory_space<vmem_shared>>)
          tpu.yield
        }) : () -> ()
      }
      %scan3A_231 = arith.constant 5 : i32
    } else {
    }
    %barrier3A = arith.constant 0 : index
    tpu.barrier barrier_id(%barrier3A)
    %run_scoped3A = arith.constant 0 : i32
    "tpu.region"() ({
      %run_scoped3A_226 = tpu.sem_alloc : memref<!tpu.dma_semaphore, #tpu.memory_space<semaphore_mem>>
      %dma_start3A_227 = arith.constant 0 : i32
      %dma_start3A_228 = arith.constant 0 : i32
      %dma_start3A_229 = tpu.memref_slice %arg7[%run_scoped3A, %dma_start3A_227, %dma_start3A_228] : memref<4x2x80xi32, #tpu.memory_space<vmem>> -> memref<1x2x80xi32, #tpu.memory_space<vmem>>
      %dma_start3A_230 = tpu.memref_squeeze %dma_start3A_229 : memref<1x2x80xi32, #tpu.memory_space<vmem>> -> memref<2x80xi32, #tpu.memory_space<vmem>>
      %dma_start3A_231 = arith.constant 0 : i32
      %dma_start3A_232 = tpu.memref_slice %arg2[%dma_start3A_231, %mul3A_2] : memref<2x320000xi32, #tpu.memory_space<hbm>> -> memref<2x80xi32, #tpu.memory_space<hbm>>
      %dma_start3A_233 = arith.constant 0 : i32
      %dma_start3A_234 = arith.constant 0 : i32
      %dma_start3A_235 = tpu.memref_slice %arg7[%run_scoped3A, %dma_start3A_233, %dma_start3A_234] : memref<4x2x80xi32, #tpu.memory_space<vmem>> -> memref<1x2x80xi32, #tpu.memory_space<vmem>>
      %dma_start3A_236 = tpu.memref_squeeze %dma_start3A_235 : memref<1x2x80xi32, #tpu.memory_space<vmem>> -> memref<2x80xi32, #tpu.memory_space<vmem>>
      %dma_start3A_237 = arith.constant 0 : i32
      %dma_start3A_238 = tpu.memref_slice %arg2[%dma_start3A_237, %mul3A_2] : memref<2x320000xi32, #tpu.memory_space<hbm>> -> memref<2x80xi32, #tpu.memory_space<hbm>>
      tpu.enqueue_dma source(%dma_start3A_238 : memref<2x80xi32, #tpu.memory_space<hbm>>) target(%dma_start3A_236 : memref<2x80xi32, #tpu.memory_space<vmem>>) target_semaphore(%run_scoped3A_226 : memref<!tpu.dma_semaphore, #tpu.memory_space<semaphore_mem>>)
      %dma_wait3A_239 = arith.constant 0 : i32
      %dma_wait3A_240 = arith.constant 0 : i32
      %dma_wait3A_241 = tpu.memref_slice %arg7[%run_scoped3A, %dma_wait3A_239, %dma_wait3A_240] : memref<4x2x80xi32, #tpu.memory_space<vmem>> -> memref<1x2x80xi32, #tpu.memory_space<vmem>>
      %dma_wait3A_242 = tpu.memref_squeeze %dma_wait3A_241 : memref<1x2x80xi32, #tpu.memory_space<vmem>> -> memref<2x80xi32, #tpu.memory_space<vmem>>
      %dma_wait3A_243 = arith.constant 0 : i32
      %dma_wait3A_244 = tpu.memref_slice %arg2[%dma_wait3A_243, %mul3A_2] : memref<2x320000xi32, #tpu.memory_space<hbm>> -> memref<2x80xi32, #tpu.memory_space<hbm>>
      %dma_wait3A_245 = arith.constant 0 : i32
      %dma_wait3A_246 = arith.constant 0 : i32
      %dma_wait3A_247 = tpu.memref_slice %arg7[%run_scoped3A, %dma_wait3A_245, %dma_wait3A_246] : memref<4x2x80xi32, #tpu.memory_space<vmem>> -> memref<1x2x80xi32, #tpu.memory_space<vmem>>
      %dma_wait3A_248 = tpu.memref_squeeze %dma_wait3A_247 : memref<1x2x80xi32, #tpu.memory_space<vmem>> -> memref<2x80xi32, #tpu.memory_space<vmem>>
      %dma_wait3A_249 = arith.constant 0 : i32
      %dma_wait3A_250 = tpu.memref_slice %arg2[%dma_wait3A_249, %mul3A_2] : memref<2x320000xi32, #tpu.memory_space<hbm>> -> memref<2x80xi32, #tpu.memory_space<hbm>>
      tpu.wait_dma2 semaphore(%run_scoped3A_226 : memref<!tpu.dma_semaphore, #tpu.memory_space<semaphore_mem>>) src(%dma_wait3A_250 : memref<2x80xi32, #tpu.memory_space<hbm>>) dst(%dma_wait3A_248 : memref<2x80xi32, #tpu.memory_space<vmem>>)
      tpu.yield
    }) : () -> ()
    "tpu.region"() ({
      %run_scoped3A_226 = tpu.sem_alloc : memref<!tpu.dma_semaphore, #tpu.memory_space<semaphore_mem>>
      %dma_start3A_227 = arith.constant 0 : i32
      %dma_start3A_228 = tpu.memref_slice %arg8[%dma_start3A_227] : memref<240xf32, #tpu.memory_space<vmem>> -> memref<80xf32, #tpu.memory_space<vmem>>
      %dma_start3A_229 = tpu.memref_slice %arg3[%mul3A_2] : memref<320000xf32, #tpu.memory_space<hbm>> -> memref<80xf32, #tpu.memory_space<hbm>>
      %dma_start3A_230 = arith.constant 0 : i32
      %dma_start3A_231 = tpu.memref_slice %arg8[%dma_start3A_230] : memref<240xf32, #tpu.memory_space<vmem>> -> memref<80xf32, #tpu.memory_space<vmem>>
      %dma_start3A_232 = tpu.memref_slice %arg3[%mul3A_2] : memref<320000xf32, #tpu.memory_space<hbm>> -> memref<80xf32, #tpu.memory_space<hbm>>
      tpu.enqueue_dma source(%dma_start3A_232 : memref<80xf32, #tpu.memory_space<hbm>>) target(%dma_start3A_231 : memref<80xf32, #tpu.memory_space<vmem>>) target_semaphore(%run_scoped3A_226 : memref<!tpu.dma_semaphore, #tpu.memory_space<semaphore_mem>>)
      %dma_wait3A_233 = arith.constant 0 : i32
      %dma_wait3A_234 = tpu.memref_slice %arg8[%dma_wait3A_233] : memref<240xf32, #tpu.memory_space<vmem>> -> memref<80xf32, #tpu.memory_space<vmem>>
      %dma_wait3A_235 = tpu.memref_slice %arg3[%mul3A_2] : memref<320000xf32, #tpu.memory_space<hbm>> -> memref<80xf32, #tpu.memory_space<hbm>>
      %dma_wait3A_236 = arith.constant 0 : i32
      %dma_wait3A_237 = tpu.memref_slice %arg8[%dma_wait3A_236] : memref<240xf32, #tpu.memory_space<vmem>> -> memref<80xf32, #tpu.memory_space<vmem>>
      %dma_wait3A_238 = tpu.memref_slice %arg3[%mul3A_2] : memref<320000xf32, #tpu.memory_space<hbm>> -> memref<80xf32, #tpu.memory_space<hbm>>
      tpu.wait_dma2 semaphore(%run_scoped3A_226 : memref<!tpu.dma_semaphore, #tpu.memory_space<semaphore_mem>>) src(%dma_wait3A_238 : memref<80xf32, #tpu.memory_space<hbm>>) dst(%dma_wait3A_237 : memref<80xf32, #tpu.memory_space<vmem>>)
      tpu.yield
    }) : () -> ()
    %rem3A = arith.constant 0 : i32
    %rem3A_17 = arith.constant 4 : i32
    %rem3A_18 = arith.remsi %rem3A, %rem3A_17 : i32
    %rem3A_19 = arith.constant 0 : i32
    %rem3A_20 = arith.constant 3 : i32
    %rem3A_21 = arith.remsi %rem3A_19, %rem3A_20 : i32
    %rem3A_22 = arith.constant 0 : i32
    %rem3A_23 = arith.constant 3 : i32
    %rem3A_24 = arith.remsi %rem3A_22, %rem3A_23 : i32
    %dma_start3A = arith.constant 0 : i32
    %dma_start3A_25 = arith.constant 0 : i32
    %dma_start3A_26 = arith.constant 0 : i32
    %dma_start3A_27 = tpu.memref_slice %arg9[%rem3A_21, %dma_start3A_25, %dma_start3A_26] : memref<3x80x128xbf16, #tpu.memory_space<vmem>> -> memref<1x80x128xbf16, #tpu.memory_space<vmem>>
    %dma_start3A_28 = tpu.memref_squeeze %dma_start3A_27 : memref<1x80x128xbf16, #tpu.memory_space<vmem>> -> memref<80x128xbf16, #tpu.memory_space<vmem>>
    %dma_start3A_29 = arith.constant 0 : i32
    %dma_start3A_30 = tpu.memref_slice %arg7[%rem3A_18, %dma_start3A, %dma_start3A_29] : memref<4x2x80xi32, #tpu.memory_space<vmem>> -> memref<1x1x80xi32, #tpu.memory_space<vmem>>
    %dma_start3A_31 = tpu.memref_squeeze %dma_start3A_30 : memref<1x1x80xi32, #tpu.memory_space<vmem>> -> memref<80xi32, #tpu.memory_space<vmem>>
    %dma_start3A_32 = arith.constant 0 : i32
    %dma_start3A_33 = arith.constant 0 : i32
    %dma_start3A_34 = tpu.memref_slice %arg4[%dma_start3A_32, %dma_start3A_33] : memref<10000x128xbf16, #tpu.memory_space<hbm>> -> memref<10000x128xbf16, #tpu.memory_space<hbm>>
    %dma_start3A_35 = tpu.memref_slice %arg15[%rem3A_24] : memref<2x!tpu.dma_semaphore, #tpu.memory_space<semaphore_mem>> -> memref<1x!tpu.dma_semaphore, #tpu.memory_space<semaphore_mem>>
    %dma_start3A_36 = tpu.memref_squeeze %dma_start3A_35 : memref<1x!tpu.dma_semaphore, #tpu.memory_space<semaphore_mem>> -> memref<!tpu.dma_semaphore, #tpu.memory_space<semaphore_mem>>
    tpu.enqueue_indirect_dma source(%dma_start3A_34 : memref<10000x128xbf16, #tpu.memory_space<hbm>>) target(%dma_start3A_28 : memref<80x128xbf16, #tpu.memory_space<vmem>>) offsets(%dma_start3A_31 : memref<80xi32, #tpu.memory_space<vmem>>) semaphore(%dma_start3A_36 : memref<!tpu.dma_semaphore, #tpu.memory_space<semaphore_mem>>)
    %add3A_37 = arith.constant 80 : i32
    %add3A_38 = arith.addi %mul3A_2, %add3A_37 : i32
    %rem3A_39 = arith.constant 1 : i32
    %rem3A_40 = arith.constant 4 : i32
    %rem3A_41 = arith.remsi %rem3A_39, %rem3A_40 : i32
    %rem3A_42 = arith.constant 1 : i32
    %rem3A_43 = arith.constant 2 : i32
    %rem3A_44 = arith.remsi %rem3A_42, %rem3A_43 : i32
    %dma_start3A_45 = arith.constant 0 : i32
    %dma_start3A_46 = arith.constant 0 : i32
    %dma_start3A_47 = tpu.memref_slice %arg7[%rem3A_41, %dma_start3A_45, %dma_start3A_46] : memref<4x2x80xi32, #tpu.memory_space<vmem>> -> memref<1x2x80xi32, #tpu.memory_space<vmem>>
    %dma_start3A_48 = tpu.memref_squeeze %dma_start3A_47 : memref<1x2x80xi32, #tpu.memory_space<vmem>> -> memref<2x80xi32, #tpu.memory_space<vmem>>
    %dma_start3A_49 = arith.constant 0 : i32
    %dma_start3A_50 = tpu.memref_slice %arg2[%dma_start3A_49, %add3A_38] : memref<2x320000xi32, #tpu.memory_space<hbm>> -> memref<2x80xi32, #tpu.memory_space<hbm>>
    %dma_start3A_51 = tpu.memref_slice %arg16[%rem3A_44] : memref<2x!tpu.dma_semaphore, #tpu.memory_space<semaphore_mem>> -> memref<1x!tpu.dma_semaphore, #tpu.memory_space<semaphore_mem>>
    %dma_start3A_52 = tpu.memref_squeeze %dma_start3A_51 : memref<1x!tpu.dma_semaphore, #tpu.memory_space<semaphore_mem>> -> memref<!tpu.dma_semaphore, #tpu.memory_space<semaphore_mem>>
    %dma_start3A_53 = arith.constant 0 : i32
    %dma_start3A_54 = arith.constant 0 : i32
    %dma_start3A_55 = tpu.memref_slice %arg7[%rem3A_41, %dma_start3A_53, %dma_start3A_54] : memref<4x2x80xi32, #tpu.memory_space<vmem>> -> memref<1x2x80xi32, #tpu.memory_space<vmem>>
    %dma_start3A_56 = tpu.memref_squeeze %dma_start3A_55 : memref<1x2x80xi32, #tpu.memory_space<vmem>> -> memref<2x80xi32, #tpu.memory_space<vmem>>
    %dma_start3A_57 = arith.constant 0 : i32
    %dma_start3A_58 = tpu.memref_slice %arg2[%dma_start3A_57, %add3A_38] : memref<2x320000xi32, #tpu.memory_space<hbm>> -> memref<2x80xi32, #tpu.memory_space<hbm>>
    tpu.enqueue_dma source(%dma_start3A_58 : memref<2x80xi32, #tpu.memory_space<hbm>>) target(%dma_start3A_56 : memref<2x80xi32, #tpu.memory_space<vmem>>) target_semaphore(%dma_start3A_52 : memref<!tpu.dma_semaphore, #tpu.memory_space<semaphore_mem>>)
    %add3A_59 = arith.constant 80 : i32
    %add3A_60 = arith.addi %mul3A_2, %add3A_59 : i32
    %rem3A_61 = arith.constant 1 : i32
    %rem3A_62 = arith.constant 3 : i32
    %rem3A_63 = arith.remsi %rem3A_61, %rem3A_62 : i32
    %mul3A_64 = arith.constant 80 : i32
    %mul3A_65 = arith.muli %rem3A_63, %mul3A_64 : i32
    %rem3A_66 = arith.constant 1 : i32
    %rem3A_67 = arith.constant 2 : i32
    %rem3A_68 = arith.remsi %rem3A_66, %rem3A_67 : i32
    %dma_start3A_69 = tpu.memref_slice %arg8[%mul3A_65] : memref<240xf32, #tpu.memory_space<vmem>> -> memref<80xf32, #tpu.memory_space<vmem>>
    %dma_start3A_70 = tpu.memref_slice %arg3[%add3A_60] : memref<320000xf32, #tpu.memory_space<hbm>> -> memref<80xf32, #tpu.memory_space<hbm>>
    %dma_start3A_71 = tpu.memref_slice %arg16[%rem3A_68] : memref<2x!tpu.dma_semaphore, #tpu.memory_space<semaphore_mem>> -> memref<1x!tpu.dma_semaphore, #tpu.memory_space<semaphore_mem>>
    %dma_start3A_72 = tpu.memref_squeeze %dma_start3A_71 : memref<1x!tpu.dma_semaphore, #tpu.memory_space<semaphore_mem>> -> memref<!tpu.dma_semaphore, #tpu.memory_space<semaphore_mem>>
    %dma_start3A_73 = tpu.memref_slice %arg8[%mul3A_65] : memref<240xf32, #tpu.memory_space<vmem>> -> memref<80xf32, #tpu.memory_space<vmem>>
    %dma_start3A_74 = tpu.memref_slice %arg3[%add3A_60] : memref<320000xf32, #tpu.memory_space<hbm>> -> memref<80xf32, #tpu.memory_space<hbm>>
    tpu.enqueue_dma source(%dma_start3A_74 : memref<80xf32, #tpu.memory_space<hbm>>) target(%dma_start3A_73 : memref<80xf32, #tpu.memory_space<vmem>>) target_semaphore(%dma_start3A_72 : memref<!tpu.dma_semaphore, #tpu.memory_space<semaphore_mem>>)
    %add3A_75 = arith.constant 80 : i32
    %add3A_76 = arith.addi %mul3A_2, %add3A_75 : i32
    %rem3A_77 = arith.constant 1 : i32
    %rem3A_78 = arith.constant 4 : i32
    %rem3A_79 = arith.remsi %rem3A_77, %rem3A_78 : i32
    %rem3A_80 = arith.constant 1 : i32
    %rem3A_81 = arith.constant 2 : i32
    %rem3A_82 = arith.remsi %rem3A_80, %rem3A_81 : i32
    %dma_wait3A = arith.constant 0 : i32
    %dma_wait3A_83 = arith.constant 0 : i32
    %dma_wait3A_84 = tpu.memref_slice %arg7[%rem3A_79, %dma_wait3A, %dma_wait3A_83] : memref<4x2x80xi32, #tpu.memory_space<vmem>> -> memref<1x2x80xi32, #tpu.memory_space<vmem>>
    %dma_wait3A_85 = tpu.memref_squeeze %dma_wait3A_84 : memref<1x2x80xi32, #tpu.memory_space<vmem>> -> memref<2x80xi32, #tpu.memory_space<vmem>>
    %dma_wait3A_86 = arith.constant 0 : i32
    %dma_wait3A_87 = tpu.memref_slice %arg2[%dma_wait3A_86, %add3A_76] : memref<2x320000xi32, #tpu.memory_space<hbm>> -> memref<2x80xi32, #tpu.memory_space<hbm>>
    %dma_wait3A_88 = tpu.memref_slice %arg16[%rem3A_82] : memref<2x!tpu.dma_semaphore, #tpu.memory_space<semaphore_mem>> -> memref<1x!tpu.dma_semaphore, #tpu.memory_space<semaphore_mem>>
    %dma_wait3A_89 = tpu.memref_squeeze %dma_wait3A_88 : memref<1x!tpu.dma_semaphore, #tpu.memory_space<semaphore_mem>> -> memref<!tpu.dma_semaphore, #tpu.memory_space<semaphore_mem>>
    %dma_wait3A_90 = arith.constant 0 : i32
    %dma_wait3A_91 = arith.constant 0 : i32
    %dma_wait3A_92 = tpu.memref_slice %arg7[%rem3A_79, %dma_wait3A_90, %dma_wait3A_91] : memref<4x2x80xi32, #tpu.memory_space<vmem>> -> memref<1x2x80xi32, #tpu.memory_space<vmem>>
    %dma_wait3A_93 = tpu.memref_squeeze %dma_wait3A_92 : memref<1x2x80xi32, #tpu.memory_space<vmem>> -> memref<2x80xi32, #tpu.memory_space<vmem>>
    %dma_wait3A_94 = arith.constant 0 : i32
    %dma_wait3A_95 = tpu.memref_slice %arg2[%dma_wait3A_94, %add3A_76] : memref<2x320000xi32, #tpu.memory_space<hbm>> -> memref<2x80xi32, #tpu.memory_space<hbm>>
    tpu.wait_dma2 semaphore(%dma_wait3A_89 : memref<!tpu.dma_semaphore, #tpu.memory_space<semaphore_mem>>) src(%dma_wait3A_95 : memref<2x80xi32, #tpu.memory_space<hbm>>) dst(%dma_wait3A_93 : memref<2x80xi32, #tpu.memory_space<vmem>>)
    %add3A_96 = arith.constant 80 : i32
    %add3A_97 = arith.addi %mul3A_2, %add3A_96 : i32
    %rem3A_98 = arith.constant 1 : i32
    %rem3A_99 = arith.constant 3 : i32
    %rem3A_100 = arith.remsi %rem3A_98, %rem3A_99 : i32
    %mul3A_101 = arith.constant 80 : i32
    %mul3A_102 = arith.muli %rem3A_100, %mul3A_101 : i32
    %rem3A_103 = arith.constant 1 : i32
    %rem3A_104 = arith.constant 2 : i32
    %rem3A_105 = arith.remsi %rem3A_103, %rem3A_104 : i32
    %dma_wait3A_106 = tpu.memref_slice %arg8[%mul3A_102] : memref<240xf32, #tpu.memory_space<vmem>> -> memref<80xf32, #tpu.memory_space<vmem>>
    %dma_wait3A_107 = tpu.memref_slice %arg3[%add3A_97] : memref<320000xf32, #tpu.memory_space<hbm>> -> memref<80xf32, #tpu.memory_space<hbm>>
    %dma_wait3A_108 = tpu.memref_slice %arg16[%rem3A_105] : memref<2x!tpu.dma_semaphore, #tpu.memory_space<semaphore_mem>> -> memref<1x!tpu.dma_semaphore, #tpu.memory_space<semaphore_mem>>
    %dma_wait3A_109 = tpu.memref_squeeze %dma_wait3A_108 : memref<1x!tpu.dma_semaphore, #tpu.memory_space<semaphore_mem>> -> memref<!tpu.dma_semaphore, #tpu.memory_space<semaphore_mem>>
    %dma_wait3A_110 = tpu.memref_slice %arg8[%mul3A_102] : memref<240xf32, #tpu.memory_space<vmem>> -> memref<80xf32, #tpu.memory_space<vmem>>
    %dma_wait3A_111 = tpu.memref_slice %arg3[%add3A_97] : memref<320000xf32, #tpu.memory_space<hbm>> -> memref<80xf32, #tpu.memory_space<hbm>>
    tpu.wait_dma2 semaphore(%dma_wait3A_109 : memref<!tpu.dma_semaphore, #tpu.memory_space<semaphore_mem>>) src(%dma_wait3A_111 : memref<80xf32, #tpu.memory_space<hbm>>) dst(%dma_wait3A_110 : memref<80xf32, #tpu.memory_space<vmem>>)
    %rem3A_112 = arith.constant 1 : i32
    %rem3A_113 = arith.constant 4 : i32
    %rem3A_114 = arith.remsi %rem3A_112, %rem3A_113 : i32
    %rem3A_115 = arith.constant 1 : i32
    %rem3A_116 = arith.constant 3 : i32
    %rem3A_117 = arith.remsi %rem3A_115, %rem3A_116 : i32
    %rem3A_118 = arith.constant 1 : i32
    %rem3A_119 = arith.constant 3 : i32
    %rem3A_120 = arith.remsi %rem3A_118, %rem3A_119 : i32
    %dma_start3A_121 = arith.constant 0 : i32
    %dma_start3A_122 = arith.constant 0 : i32
    %dma_start3A_123 = arith.constant 0 : i32
    %dma_start3A_124 = tpu.memref_slice %arg9[%rem3A_117, %dma_start3A_122, %dma_start3A_123] : memref<3x80x128xbf16, #tpu.memory_space<vmem>> -> memref<1x80x128xbf16, #tpu.memory_space<vmem>>
    %dma_start3A_125 = tpu.memref_squeeze %dma_start3A_124 : memref<1x80x128xbf16, #tpu.memory_space<vmem>> -> memref<80x128xbf16, #tpu.memory_space<vmem>>
    %dma_start3A_126 = arith.constant 0 : i32
    %dma_start3A_127 = tpu.memref_slice %arg7[%rem3A_114, %dma_start3A_121, %dma_start3A_126] : memref<4x2x80xi32, #tpu.memory_space<vmem>> -> memref<1x1x80xi32, #tpu.memory_space<vmem>>
    %dma_start3A_128 = tpu.memref_squeeze %dma_start3A_127 : memref<1x1x80xi32, #tpu.memory_space<vmem>> -> memref<80xi32, #tpu.memory_space<vmem>>
    %dma_start3A_129 = arith.constant 0 : i32
    %dma_start3A_130 = arith.constant 0 : i32
    %dma_start3A_131 = tpu.memref_slice %arg4[%dma_start3A_129, %dma_start3A_130] : memref<10000x128xbf16, #tpu.memory_space<hbm>> -> memref<10000x128xbf16, #tpu.memory_space<hbm>>
    %dma_start3A_132 = tpu.memref_slice %arg15[%rem3A_120] : memref<2x!tpu.dma_semaphore, #tpu.memory_space<semaphore_mem>> -> memref<1x!tpu.dma_semaphore, #tpu.memory_space<semaphore_mem>>
    %dma_start3A_133 = tpu.memref_squeeze %dma_start3A_132 : memref<1x!tpu.dma_semaphore, #tpu.memory_space<semaphore_mem>> -> memref<!tpu.dma_semaphore, #tpu.memory_space<semaphore_mem>>
    tpu.enqueue_indirect_dma source(%dma_start3A_131 : memref<10000x128xbf16, #tpu.memory_space<hbm>>) target(%dma_start3A_125 : memref<80x128xbf16, #tpu.memory_space<vmem>>) offsets(%dma_start3A_128 : memref<80xi32, #tpu.memory_space<vmem>>) semaphore(%dma_start3A_133 : memref<!tpu.dma_semaphore, #tpu.memory_space<semaphore_mem>>)
    %add3A_134 = arith.constant 160 : i32
    %add3A_135 = arith.addi %mul3A_2, %add3A_134 : i32
    %rem3A_136 = arith.constant 2 : i32
    %rem3A_137 = arith.constant 4 : i32
    %rem3A_138 = arith.remsi %rem3A_136, %rem3A_137 : i32
    %rem3A_139 = arith.constant 2 : i32
    %rem3A_140 = arith.constant 2 : i32
    %rem3A_141 = arith.remsi %rem3A_139, %rem3A_140 : i32
    %dma_start3A_142 = arith.constant 0 : i32
    %dma_start3A_143 = arith.constant 0 : i32
    %dma_start3A_144 = tpu.memref_slice %arg7[%rem3A_138, %dma_start3A_142, %dma_start3A_143] : memref<4x2x80xi32, #tpu.memory_space<vmem>> -> memref<1x2x80xi32, #tpu.memory_space<vmem>>
    %dma_start3A_145 = tpu.memref_squeeze %dma_start3A_144 : memref<1x2x80xi32, #tpu.memory_space<vmem>> -> memref<2x80xi32, #tpu.memory_space<vmem>>
    %dma_start3A_146 = arith.constant 0 : i32
    %dma_start3A_147 = tpu.memref_slice %arg2[%dma_start3A_146, %add3A_135] : memref<2x320000xi32, #tpu.memory_space<hbm>> -> memref<2x80xi32, #tpu.memory_space<hbm>>
    %dma_start3A_148 = tpu.memref_slice %arg16[%rem3A_141] : memref<2x!tpu.dma_semaphore, #tpu.memory_space<semaphore_mem>> -> memref<1x!tpu.dma_semaphore, #tpu.memory_space<semaphore_mem>>
    %dma_start3A_149 = tpu.memref_squeeze %dma_start3A_148 : memref<1x!tpu.dma_semaphore, #tpu.memory_space<semaphore_mem>> -> memref<!tpu.dma_semaphore, #tpu.memory_space<semaphore_mem>>
    %dma_start3A_150 = arith.constant 0 : i32
    %dma_start3A_151 = arith.constant 0 : i32
    %dma_start3A_152 = tpu.memref_slice %arg7[%rem3A_138, %dma_start3A_150, %dma_start3A_151] : memref<4x2x80xi32, #tpu.memory_space<vmem>> -> memref<1x2x80xi32, #tpu.memory_space<vmem>>
    %dma_start3A_153 = tpu.memref_squeeze %dma_start3A_152 : memref<1x2x80xi32, #tpu.memory_space<vmem>> -> memref<2x80xi32, #tpu.memory_space<vmem>>
    %dma_start3A_154 = arith.constant 0 : i32
    %dma_start3A_155 = tpu.memref_slice %arg2[%dma_start3A_154, %add3A_135] : memref<2x320000xi32, #tpu.memory_space<hbm>> -> memref<2x80xi32, #tpu.memory_space<hbm>>
    tpu.enqueue_dma source(%dma_start3A_155 : memref<2x80xi32, #tpu.memory_space<hbm>>) target(%dma_start3A_153 : memref<2x80xi32, #tpu.memory_space<vmem>>) target_semaphore(%dma_start3A_149 : memref<!tpu.dma_semaphore, #tpu.memory_space<semaphore_mem>>)
    %add3A_156 = arith.constant 160 : i32
    %add3A_157 = arith.addi %mul3A_2, %add3A_156 : i32
    %rem3A_158 = arith.constant 2 : i32
    %rem3A_159 = arith.constant 3 : i32
    %rem3A_160 = arith.remsi %rem3A_158, %rem3A_159 : i32
    %mul3A_161 = arith.constant 80 : i32
    %mul3A_162 = arith.muli %rem3A_160, %mul3A_161 : i32
    %rem3A_163 = arith.constant 2 : i32
    %rem3A_164 = arith.constant 2 : i32
    %rem3A_165 = arith.remsi %rem3A_163, %rem3A_164 : i32
    %dma_start3A_166 = tpu.memref_slice %arg8[%mul3A_162] : memref<240xf32, #tpu.memory_space<vmem>> -> memref<80xf32, #tpu.memory_space<vmem>>
    %dma_start3A_167 = tpu.memref_slice %arg3[%add3A_157] : memref<320000xf32, #tpu.memory_space<hbm>> -> memref<80xf32, #tpu.memory_space<hbm>>
    %dma_start3A_168 = tpu.memref_slice %arg16[%rem3A_165] : memref<2x!tpu.dma_semaphore, #tpu.memory_space<semaphore_mem>> -> memref<1x!tpu.dma_semaphore, #tpu.memory_space<semaphore_mem>>
    %dma_start3A_169 = tpu.memref_squeeze %dma_start3A_168 : memref<1x!tpu.dma_semaphore, #tpu.memory_space<semaphore_mem>> -> memref<!tpu.dma_semaphore, #tpu.memory_space<semaphore_mem>>
    %dma_start3A_170 = tpu.memref_slice %arg8[%mul3A_162] : memref<240xf32, #tpu.memory_space<vmem>> -> memref<80xf32, #tpu.memory_space<vmem>>
    %dma_start3A_171 = tpu.memref_slice %arg3[%add3A_157] : memref<320000xf32, #tpu.memory_space<hbm>> -> memref<80xf32, #tpu.memory_space<hbm>>
    tpu.enqueue_dma source(%dma_start3A_171 : memref<80xf32, #tpu.memory_space<hbm>>) target(%dma_start3A_170 : memref<80xf32, #tpu.memory_space<vmem>>) target_semaphore(%dma_start3A_169 : memref<!tpu.dma_semaphore, #tpu.memory_space<semaphore_mem>>)
    %scan3A_172 = arith.constant 0 : i32
    %scan3A_173 = arith.constant 0 : i32
    %scan3A_174 = arith.constant 125 : i32
    %scan3A_175 = arith.addi %scan3A_173, %scan3A_174 : i32
    %scan3A_176 = arith.constant 1 : i32
    scf.for %scan3A_226 = %scan3A_173 to %scan3A_175 step %scan3A_176  : i32 {
      %rem3A_227 = arith.constant 2 : i32
      %rem3A_228 = arith.remsi %scan3A_226, %rem3A_227 : i32
      %add3A_229 = arith.constant 2 : i32
      %add3A_230 = arith.addi %scan3A_226, %add3A_229 : i32
      %lt3A_231 = arith.constant 125 : i32
      %lt3A_232 = arith.cmpi slt, %add3A_230, %lt3A_231 : i32
      %convert_element_type3A_233 = arith.extui %lt3A_232 : i1 to i32
      %cond3A_234 = arith.constant 0 : i32
      %cond3A_235 = arith.cmpi ne, %convert_element_type3A_233, %cond3A_234 : i32
      scf.if %cond3A_235 {
        %add3A_302 = arith.constant 2 : i32
        %add3A_303 = arith.addi %scan3A_226, %add3A_302 : i32
        %mul3A_304 = arith.constant 80 : i32
        %mul3A_305 = arith.muli %add3A_303, %mul3A_304 : i32
        %add3A_306 = arith.addi %mul3A_2, %mul3A_305 : i32
        %rem3A_307 = arith.constant 4 : i32
        %rem3A_308 = arith.remsi %add3A_303, %rem3A_307 : i32
        %rem3A_309 = arith.constant 2 : i32
        %rem3A_310 = arith.remsi %add3A_303, %rem3A_309 : i32
        %dma_wait3A_311 = arith.constant 0 : i32
        %dma_wait3A_312 = arith.constant 0 : i32
        %dma_wait3A_313 = tpu.memref_slice %arg7[%rem3A_308, %dma_wait3A_311, %dma_wait3A_312] : memref<4x2x80xi32, #tpu.memory_space<vmem>> -> memref<1x2x80xi32, #tpu.memory_space<vmem>>
        %dma_wait3A_314 = tpu.memref_squeeze %dma_wait3A_313 : memref<1x2x80xi32, #tpu.memory_space<vmem>> -> memref<2x80xi32, #tpu.memory_space<vmem>>
        %dma_wait3A_315 = arith.constant 0 : i32
        %dma_wait3A_316 = tpu.memref_slice %arg2[%dma_wait3A_315, %add3A_306] : memref<2x320000xi32, #tpu.memory_space<hbm>> -> memref<2x80xi32, #tpu.memory_space<hbm>>
        %dma_wait3A_317 = tpu.memref_slice %arg16[%rem3A_310] : memref<2x!tpu.dma_semaphore, #tpu.memory_space<semaphore_mem>> -> memref<1x!tpu.dma_semaphore, #tpu.memory_space<semaphore_mem>>
        %dma_wait3A_318 = tpu.memref_squeeze %dma_wait3A_317 : memref<1x!tpu.dma_semaphore, #tpu.memory_space<semaphore_mem>> -> memref<!tpu.dma_semaphore, #tpu.memory_space<semaphore_mem>>
        %dma_wait3A_319 = arith.constant 0 : i32
        %dma_wait3A_320 = arith.constant 0 : i32
        %dma_wait3A_321 = tpu.memref_slice %arg7[%rem3A_308, %dma_wait3A_319, %dma_wait3A_320] : memref<4x2x80xi32, #tpu.memory_space<vmem>> -> memref<1x2x80xi32, #tpu.memory_space<vmem>>
        %dma_wait3A_322 = tpu.memref_squeeze %dma_wait3A_321 : memref<1x2x80xi32, #tpu.memory_space<vmem>> -> memref<2x80xi32, #tpu.memory_space<vmem>>
        %dma_wait3A_323 = arith.constant 0 : i32
        %dma_wait3A_324 = tpu.memref_slice %arg2[%dma_wait3A_323, %add3A_306] : memref<2x320000xi32, #tpu.memory_space<hbm>> -> memref<2x80xi32, #tpu.memory_space<hbm>>
        tpu.wait_dma2 semaphore(%dma_wait3A_318 : memref<!tpu.dma_semaphore, #tpu.memory_space<semaphore_mem>>) src(%dma_wait3A_324 : memref<2x80xi32, #tpu.memory_space<hbm>>) dst(%dma_wait3A_322 : memref<2x80xi32, #tpu.memory_space<vmem>>)
        %add3A_325 = arith.constant 2 : i32
        %add3A_326 = arith.addi %scan3A_226, %add3A_325 : i32
        %mul3A_327 = arith.constant 80 : i32
        %mul3A_328 = arith.muli %add3A_326, %mul3A_327 : i32
        %add3A_329 = arith.addi %mul3A_2, %mul3A_328 : i32
        %rem3A_330 = arith.constant 3 : i32
        %rem3A_331 = arith.remsi %add3A_326, %rem3A_330 : i32
        %mul3A_332 = arith.constant 80 : i32
        %mul3A_333 = arith.muli %rem3A_331, %mul3A_332 : i32
        %rem3A_334 = arith.constant 2 : i32
        %rem3A_335 = arith.remsi %add3A_326, %rem3A_334 : i32
        %dma_wait3A_336 = tpu.memref_slice %arg8[%mul3A_333] : memref<240xf32, #tpu.memory_space<vmem>> -> memref<80xf32, #tpu.memory_space<vmem>>
        %dma_wait3A_337 = tpu.memref_slice %arg3[%add3A_329] : memref<320000xf32, #tpu.memory_space<hbm>> -> memref<80xf32, #tpu.memory_space<hbm>>
        %dma_wait3A_338 = tpu.memref_slice %arg16[%rem3A_335] : memref<2x!tpu.dma_semaphore, #tpu.memory_space<semaphore_mem>> -> memref<1x!tpu.dma_semaphore, #tpu.memory_space<semaphore_mem>>
        %dma_wait3A_339 = tpu.memref_squeeze %dma_wait3A_338 : memref<1x!tpu.dma_semaphore, #tpu.memory_space<semaphore_mem>> -> memref<!tpu.dma_semaphore, #tpu.memory_space<semaphore_mem>>
        %dma_wait3A_340 = tpu.memref_slice %arg8[%mul3A_333] : memref<240xf32, #tpu.memory_space<vmem>> -> memref<80xf32, #tpu.memory_space<vmem>>
        %dma_wait3A_341 = tpu.memref_slice %arg3[%add3A_329] : memref<320000xf32, #tpu.memory_space<hbm>> -> memref<80xf32, #tpu.memory_space<hbm>>
        tpu.wait_dma2 semaphore(%dma_wait3A_339 : memref<!tpu.dma_semaphore, #tpu.memory_space<semaphore_mem>>) src(%dma_wait3A_341 : memref<80xf32, #tpu.memory_space<hbm>>) dst(%dma_wait3A_340 : memref<80xf32, #tpu.memory_space<vmem>>)
        %add3A_342 = arith.constant 2 : i32
        %add3A_343 = arith.addi %scan3A_226, %add3A_342 : i32
        %rem3A_344 = arith.constant 4 : i32
        %rem3A_345 = arith.remsi %add3A_343, %rem3A_344 : i32
        %rem3A_346 = arith.constant 3 : i32
        %rem3A_347 = arith.remsi %add3A_343, %rem3A_346 : i32
        %rem3A_348 = arith.constant 3 : i32
        %rem3A_349 = arith.remsi %add3A_343, %rem3A_348 : i32
        %dma_start3A_350 = arith.constant 0 : i32
        %dma_start3A_351 = arith.constant 0 : i32
        %dma_start3A_352 = arith.constant 0 : i32
        %dma_start3A_353 = tpu.memref_slice %arg9[%rem3A_347, %dma_start3A_351, %dma_start3A_352] : memref<3x80x128xbf16, #tpu.memory_space<vmem>> -> memref<1x80x128xbf16, #tpu.memory_space<vmem>>
        %dma_start3A_354 = tpu.memref_squeeze %dma_start3A_353 : memref<1x80x128xbf16, #tpu.memory_space<vmem>> -> memref<80x128xbf16, #tpu.memory_space<vmem>>
        %dma_start3A_355 = arith.constant 0 : i32
        %dma_start3A_356 = tpu.memref_slice %arg7[%rem3A_345, %dma_start3A_350, %dma_start3A_355] : memref<4x2x80xi32, #tpu.memory_space<vmem>> -> memref<1x1x80xi32, #tpu.memory_space<vmem>>
        %dma_start3A_357 = tpu.memref_squeeze %dma_start3A_356 : memref<1x1x80xi32, #tpu.memory_space<vmem>> -> memref<80xi32, #tpu.memory_space<vmem>>
        %dma_start3A_358 = arith.constant 0 : i32
        %dma_start3A_359 = arith.constant 0 : i32
        %dma_start3A_360 = tpu.memref_slice %arg4[%dma_start3A_358, %dma_start3A_359] : memref<10000x128xbf16, #tpu.memory_space<hbm>> -> memref<10000x128xbf16, #tpu.memory_space<hbm>>
        %dma_start3A_361 = tpu.memref_slice %arg15[%rem3A_349] : memref<2x!tpu.dma_semaphore, #tpu.memory_space<semaphore_mem>> -> memref<1x!tpu.dma_semaphore, #tpu.memory_space<semaphore_mem>>
        %dma_start3A_362 = tpu.memref_squeeze %dma_start3A_361 : memref<1x!tpu.dma_semaphore, #tpu.memory_space<semaphore_mem>> -> memref<!tpu.dma_semaphore, #tpu.memory_space<semaphore_mem>>
        tpu.enqueue_indirect_dma source(%dma_start3A_360 : memref<10000x128xbf16, #tpu.memory_space<hbm>>) target(%dma_start3A_354 : memref<80x128xbf16, #tpu.memory_space<vmem>>) offsets(%dma_start3A_357 : memref<80xi32, #tpu.memory_space<vmem>>) semaphore(%dma_start3A_362 : memref<!tpu.dma_semaphore, #tpu.memory_space<semaphore_mem>>)
      } else {
      }
      %rem3A_236 = arith.constant 4 : i32
      %rem3A_237 = arith.remsi %scan3A_226, %rem3A_236 : i32
      %rem3A_238 = arith.constant 3 : i32
      %rem3A_239 = arith.remsi %scan3A_226, %rem3A_238 : i32
      %rem3A_240 = arith.constant 3 : i32
      %rem3A_241 = arith.remsi %scan3A_226, %rem3A_240 : i32
      %dma_wait3A_242 = arith.constant 0 : i32
      %dma_wait3A_243 = arith.constant 0 : i32
      %dma_wait3A_244 = arith.constant 0 : i32
      %dma_wait3A_245 = tpu.memref_slice %arg9[%rem3A_239, %dma_wait3A_243, %dma_wait3A_244] : memref<3x80x128xbf16, #tpu.memory_space<vmem>> -> memref<1x80x128xbf16, #tpu.memory_space<vmem>>
      %dma_wait3A_246 = tpu.memref_squeeze %dma_wait3A_245 : memref<1x80x128xbf16, #tpu.memory_space<vmem>> -> memref<80x128xbf16, #tpu.memory_space<vmem>>
      %dma_wait3A_247 = arith.constant 0 : i32
      %dma_wait3A_248 = tpu.memref_slice %arg7[%rem3A_237, %dma_wait3A_242, %dma_wait3A_247] : memref<4x2x80xi32, #tpu.memory_space<vmem>> -> memref<1x1x80xi32, #tpu.memory_space<vmem>>
      %dma_wait3A_249 = tpu.memref_squeeze %dma_wait3A_248 : memref<1x1x80xi32, #tpu.memory_space<vmem>> -> memref<80xi32, #tpu.memory_space<vmem>>
      %dma_wait3A_250 = arith.constant 0 : i32
      %dma_wait3A_251 = arith.constant 0 : i32
      %dma_wait3A_252 = tpu.memref_slice %arg4[%dma_wait3A_250, %dma_wait3A_251] : memref<10000x128xbf16, #tpu.memory_space<hbm>> -> memref<10000x128xbf16, #tpu.memory_space<hbm>>
      %dma_wait3A_253 = tpu.memref_slice %arg15[%rem3A_241] : memref<2x!tpu.dma_semaphore, #tpu.memory_space<semaphore_mem>> -> memref<1x!tpu.dma_semaphore, #tpu.memory_space<semaphore_mem>>
      %dma_wait3A_254 = tpu.memref_squeeze %dma_wait3A_253 : memref<1x!tpu.dma_semaphore, #tpu.memory_space<semaphore_mem>> -> memref<!tpu.dma_semaphore, #tpu.memory_space<semaphore_mem>>
      tpu.wait_indirect_dma semaphore(%dma_wait3A_254 : memref<!tpu.dma_semaphore, #tpu.memory_space<semaphore_mem>>) src(%dma_wait3A_252 : memref<10000x128xbf16, #tpu.memory_space<hbm>>) dst(%dma_wait3A_246 : memref<80x128xbf16, #tpu.memory_space<vmem>>)
      %rem3A_255 = arith.constant 3 : i32
      %rem3A_256 = arith.remsi %scan3A_226, %rem3A_255 : i32
      %parallel_loop3A = arith.constant 0 : i32
      %parallel_loop3A_257 = arith.constant 80 : i32
      %parallel_loop3A_258 = arith.constant 1 : i32
      scf.for %parallel_loop3A_302 = %parallel_loop3A to %parallel_loop3A_257 step %parallel_loop3A_258  : i32 {
        %parallel_loop3A_303 = arith.constant 80 : i32
        %parallel_loop3A_304 = arith.muli %rem3A_256, %parallel_loop3A_303 : i32
        %parallel_loop3A_305 = arith.addi %parallel_loop3A_304, %parallel_loop3A_302 : i32
        %parallel_loop3A_306 = vector.broadcast %parallel_loop3A_305 : i32 to vector<16xi32>
        %parallel_loop3A_307 = tpu.vector_load_idx %arg8[%parallel_loop3A_306] : memref<240xf32, #tpu.memory_space<vmem>>[vector<16xi32>], vector<16xf32>,
        %parallel_loop3A_308 = arith.index_cast %rem3A_256 : i32 to index
        %parallel_loop3A_309 = arith.index_cast %parallel_loop3A_302 : i32 to index
        %parallel_loop3A_310 = arith.constant 0 : index
        %parallel_loop3A_311 = tpu.vector_load %arg9[%parallel_loop3A_308, %parallel_loop3A_309, %parallel_loop3A_310] {strides = array<i32>} : memref<3x80x128xbf16, #tpu.memory_space<vmem>>, vector<32xbf16>,
        %parallel_loop3A_312 = tpu.unpack_subelements %parallel_loop3A_311, 0 {pack_format = #tpu.pack_format<interleaved>} : vector<32xbf16> -> vector<16xf32>
        %parallel_loop3A_313 = tpu.unpack_subelements %parallel_loop3A_311, 1 {pack_format = #tpu.pack_format<interleaved>} : vector<32xbf16> -> vector<16xf32>
        %parallel_loop3A_314 = arith.mulf %parallel_loop3A_312, %parallel_loop3A_307 : vector<16xf32>
        %parallel_loop3A_315 = arith.index_cast %rem3A_228 : i32 to index
        %parallel_loop3A_316 = arith.index_cast %parallel_loop3A_302 : i32 to index
        %parallel_loop3A_317 = arith.constant 0 : index
        %parallel_loop3A_318 = tpu.vector_load %arg10[%parallel_loop3A_315, %parallel_loop3A_316, %parallel_loop3A_317] {strides = array<i32>} : memref<2x80x128xf32, #tpu.memory_space<vmem>>, vector<16xf32>,
        tpu.vector_store %arg10[%parallel_loop3A_315, %parallel_loop3A_316, %parallel_loop3A_317], %parallel_loop3A_314 {strides = array<i32>} : memref<2x80x128xf32, #tpu.memory_space<vmem>>, vector<16xf32>,
        %parallel_loop3A_319 = arith.mulf %parallel_loop3A_313, %parallel_loop3A_307 : vector<16xf32>
        %parallel_loop3A_320 = arith.index_cast %rem3A_228 : i32 to index
        %parallel_loop3A_321 = arith.index_cast %parallel_loop3A_302 : i32 to index
        %parallel_loop3A_322 = arith.constant 16 : index
        %parallel_loop3A_323 = tpu.vector_load %arg10[%parallel_loop3A_320, %parallel_loop3A_321, %parallel_loop3A_322] {strides = array<i32>} : memref<2x80x128xf32, #tpu.memory_space<vmem>>, vector<16xf32>,
        tpu.vector_store %arg10[%parallel_loop3A_320, %parallel_loop3A_321, %parallel_loop3A_322], %parallel_loop3A_319 {strides = array<i32>} : memref<2x80x128xf32, #tpu.memory_space<vmem>>, vector<16xf32>,
        %parallel_loop3A_324 = arith.index_cast %rem3A_256 : i32 to index
        %parallel_loop3A_325 = arith.index_cast %parallel_loop3A_302 : i32 to index
        %parallel_loop3A_326 = arith.constant 32 : index
        %parallel_loop3A_327 = tpu.vector_load %arg9[%parallel_loop3A_324, %parallel_loop3A_325, %parallel_loop3A_326] {strides = array<i32>} : memref<3x80x128xbf16, #tpu.memory_space<vmem>>, vector<32xbf16>,
        %parallel_loop3A_328 = tpu.unpack_subelements %parallel_loop3A_327, 0 {pack_format = #tpu.pack_format<interleaved>} : vector<32xbf16> -> vector<16xf32>
        %parallel_loop3A_329 = tpu.unpack_subelements %parallel_loop3A_327, 1 {pack_format = #tpu.pack_format<interleaved>} : vector<32xbf16> -> vector<16xf32>
        %parallel_loop3A_330 = arith.mulf %parallel_loop3A_328, %parallel_loop3A_307 : vector<16xf32>
        %parallel_loop3A_331 = arith.index_cast %rem3A_228 : i32 to index
        %parallel_loop3A_332 = arith.index_cast %parallel_loop3A_302 : i32 to index
        %parallel_loop3A_333 = arith.constant 32 : index
        %parallel_loop3A_334 = tpu.vector_load %arg10[%parallel_loop3A_331, %parallel_loop3A_332, %parallel_loop3A_333] {strides = array<i32>} : memref<2x80x128xf32, #tpu.memory_space<vmem>>, vector<16xf32>,
        tpu.vector_store %arg10[%parallel_loop3A_331, %parallel_loop3A_332, %parallel_loop3A_333], %parallel_loop3A_330 {strides = array<i32>} : memref<2x80x128xf32, #tpu.memory_space<vmem>>, vector<16xf32>,
        %parallel_loop3A_335 = arith.mulf %parallel_loop3A_329, %parallel_loop3A_307 : vector<16xf32>
        %parallel_loop3A_336 = arith.index_cast %rem3A_228 : i32 to index
        %parallel_loop3A_337 = arith.index_cast %parallel_loop3A_302 : i32 to index
        %parallel_loop3A_338 = arith.constant 48 : index
        %parallel_loop3A_339 = tpu.vector_load %arg10[%parallel_loop3A_336, %parallel_loop3A_337, %parallel_loop3A_338] {strides = array<i32>} : memref<2x80x128xf32, #tpu.memory_space<vmem>>, vector<16xf32>,
        tpu.vector_store %arg10[%parallel_loop3A_336, %parallel_loop3A_337, %parallel_loop3A_338], %parallel_loop3A_335 {strides = array<i32>} : memref<2x80x128xf32, #tpu.memory_space<vmem>>, vector<16xf32>,
        %parallel_loop3A_340 = arith.index_cast %rem3A_256 : i32 to index
        %parallel_loop3A_341 = arith.index_cast %parallel_loop3A_302 : i32 to index
        %parallel_loop3A_342 = arith.constant 64 : index
        %parallel_loop3A_343 = tpu.vector_load %arg9[%parallel_loop3A_340, %parallel_loop3A_341, %parallel_loop3A_342] {strides = array<i32>} : memref<3x80x128xbf16, #tpu.memory_space<vmem>>, vector<32xbf16>,
        %parallel_loop3A_344 = tpu.unpack_subelements %parallel_loop3A_343, 0 {pack_format = #tpu.pack_format<interleaved>} : vector<32xbf16> -> vector<16xf32>
        %parallel_loop3A_345 = tpu.unpack_subelements %parallel_loop3A_343, 1 {pack_format = #tpu.pack_format<interleaved>} : vector<32xbf16> -> vector<16xf32>
        %parallel_loop3A_346 = arith.mulf %parallel_loop3A_344, %parallel_loop3A_307 : vector<16xf32>
        %parallel_loop3A_347 = arith.index_cast %rem3A_228 : i32 to index
        %parallel_loop3A_348 = arith.index_cast %parallel_loop3A_302 : i32 to index
        %parallel_loop3A_349 = arith.constant 64 : index
        %parallel_loop3A_350 = tpu.vector_load %arg10[%parallel_loop3A_347, %parallel_loop3A_348, %parallel_loop3A_349] {strides = array<i32>} : memref<2x80x128xf32, #tpu.memory_space<vmem>>, vector<16xf32>,
        tpu.vector_store %arg10[%parallel_loop3A_347, %parallel_loop3A_348, %parallel_loop3A_349], %parallel_loop3A_346 {strides = array<i32>} : memref<2x80x128xf32, #tpu.memory_space<vmem>>, vector<16xf32>,
        %parallel_loop3A_351 = arith.mulf %parallel_loop3A_345, %parallel_loop3A_307 : vector<16xf32>
        %parallel_loop3A_352 = arith.index_cast %rem3A_228 : i32 to index
        %parallel_loop3A_353 = arith.index_cast %parallel_loop3A_302 : i32 to index
        %parallel_loop3A_354 = arith.constant 80 : index
        %parallel_loop3A_355 = tpu.vector_load %arg10[%parallel_loop3A_352, %parallel_loop3A_353, %parallel_loop3A_354] {strides = array<i32>} : memref<2x80x128xf32, #tpu.memory_space<vmem>>, vector<16xf32>,
        tpu.vector_store %arg10[%parallel_loop3A_352, %parallel_loop3A_353, %parallel_loop3A_354], %parallel_loop3A_351 {strides = array<i32>} : memref<2x80x128xf32, #tpu.memory_space<vmem>>, vector<16xf32>,
        %parallel_loop3A_356 = arith.index_cast %rem3A_256 : i32 to index
        %parallel_loop3A_357 = arith.index_cast %parallel_loop3A_302 : i32 to index
        %parallel_loop3A_358 = arith.constant 96 : index
        %parallel_loop3A_359 = tpu.vector_load %arg9[%parallel_loop3A_356, %parallel_loop3A_357, %parallel_loop3A_358] {strides = array<i32>} : memref<3x80x128xbf16, #tpu.memory_space<vmem>>, vector<32xbf16>,
        %parallel_loop3A_360 = tpu.unpack_subelements %parallel_loop3A_359, 0 {pack_format = #tpu.pack_format<interleaved>} : vector<32xbf16> -> vector<16xf32>
        %parallel_loop3A_361 = tpu.unpack_subelements %parallel_loop3A_359, 1 {pack_format = #tpu.pack_format<interleaved>} : vector<32xbf16> -> vector<16xf32>
        %parallel_loop3A_362 = arith.mulf %parallel_loop3A_360, %parallel_loop3A_307 : vector<16xf32>
        %parallel_loop3A_363 = arith.index_cast %rem3A_228 : i32 to index
        %parallel_loop3A_364 = arith.index_cast %parallel_loop3A_302 : i32 to index
        %parallel_loop3A_365 = arith.constant 96 : index
        %parallel_loop3A_366 = tpu.vector_load %arg10[%parallel_loop3A_363, %parallel_loop3A_364, %parallel_loop3A_365] {strides = array<i32>} : memref<2x80x128xf32, #tpu.memory_space<vmem>>, vector<16xf32>,
        tpu.vector_store %arg10[%parallel_loop3A_363, %parallel_loop3A_364, %parallel_loop3A_365], %parallel_loop3A_362 {strides = array<i32>} : memref<2x80x128xf32, #tpu.memory_space<vmem>>, vector<16xf32>,
        %parallel_loop3A_367 = arith.mulf %parallel_loop3A_361, %parallel_loop3A_307 : vector<16xf32>
        %parallel_loop3A_368 = arith.index_cast %rem3A_228 : i32 to index
        %parallel_loop3A_369 = arith.index_cast %parallel_loop3A_302 : i32 to index
        %parallel_loop3A_370 = arith.constant 112 : index
        %parallel_loop3A_371 = tpu.vector_load %arg10[%parallel_loop3A_368, %parallel_loop3A_369, %parallel_loop3A_370] {strides = array<i32>} : memref<2x80x128xf32, #tpu.memory_space<vmem>>, vector<16xf32>,
        tpu.vector_store %arg10[%parallel_loop3A_368, %parallel_loop3A_369, %parallel_loop3A_370], %parallel_loop3A_367 {strides = array<i32>} : memref<2x80x128xf32, #tpu.memory_space<vmem>>, vector<16xf32>,
      } {sc.loop_unroll_factor = 4 : i64, sc.parallel_access}
      %ge3A = arith.constant 1 : i32
      %ge3A_259 = arith.cmpi sge, %scan3A_226, %ge3A : i32
      %convert_element_type3A_260 = arith.extui %ge3A_259 : i1 to i32
      %cond3A_261 = arith.constant 0 : i32
      %cond3A_262 = arith.cmpi ne, %convert_element_type3A_260, %cond3A_261 : i32
      scf.if %cond3A_262 {
        %sub3A = arith.constant 1 : i32
        %sub3A_302 = arith.subi %scan3A_226, %sub3A : i32
        %rem3A_303 = arith.constant 2 : i32
        %rem3A_304 = arith.remsi %sub3A_302, %rem3A_303 : i32
        %rem3A_305 = arith.constant 4 : i32
        %rem3A_306 = arith.remsi %sub3A_302, %rem3A_305 : i32
        %rem3A_307 = arith.constant 3 : i32
        %rem3A_308 = arith.remsi %sub3A_302, %rem3A_307 : i32
        %dma_wait3A_309 = arith.constant 1 : i32
        %dma_wait3A_310 = arith.constant 0 : i32
        %dma_wait3A_311 = arith.constant 0 : i32
        %dma_wait3A_312 = tpu.memref_slice %arg10[%rem3A_304, %dma_wait3A_310, %dma_wait3A_311] : memref<2x80x128xf32, #tpu.memory_space<vmem>> -> memref<1x80x128xf32, #tpu.memory_space<vmem>>
        %dma_wait3A_313 = tpu.memref_squeeze %dma_wait3A_312 : memref<1x80x128xf32, #tpu.memory_space<vmem>> -> memref<80x128xf32, #tpu.memory_space<vmem>>
        %dma_wait3A_314 = arith.constant 0 : i32
        %dma_wait3A_315 = tpu.memref_slice %arg7[%rem3A_306, %dma_wait3A_309, %dma_wait3A_314] : memref<4x2x80xi32, #tpu.memory_space<vmem>> -> memref<1x1x80xi32, #tpu.memory_space<vmem>>
        %dma_wait3A_316 = tpu.memref_squeeze %dma_wait3A_315 : memref<1x1x80xi32, #tpu.memory_space<vmem>> -> memref<80xi32, #tpu.memory_space<vmem>>
        %dma_wait3A_317 = arith.constant 0 : i32
        %dma_wait3A_318 = arith.constant 0 : i32
        %dma_wait3A_319 = tpu.memref_slice %arg13[%dma_wait3A_317, %dma_wait3A_318] : memref<10000x128xf32, #tpu.memory_space<vmem_shared>> -> memref<10000x128xf32, #tpu.memory_space<vmem_shared>>
        %dma_wait3A_320 = tpu.memref_slice %arg17[%rem3A_308] : memref<3x!tpu.dma_semaphore, #tpu.memory_space<semaphore_mem>> -> memref<1x!tpu.dma_semaphore, #tpu.memory_space<semaphore_mem>>
        %dma_wait3A_321 = tpu.memref_squeeze %dma_wait3A_320 : memref<1x!tpu.dma_semaphore, #tpu.memory_space<semaphore_mem>> -> memref<!tpu.dma_semaphore, #tpu.memory_space<semaphore_mem>>
        tpu.wait_indirect_dma semaphore(%dma_wait3A_321 : memref<!tpu.dma_semaphore, #tpu.memory_space<semaphore_mem>>) src(%dma_wait3A_313 : memref<80x128xf32, #tpu.memory_space<vmem>>) dst(%dma_wait3A_319 : memref<10000x128xf32, #tpu.memory_space<vmem_shared>>)
        %sub3A_322 = arith.constant 1 : i32
        %sub3A_323 = arith.subi %scan3A_226, %sub3A_322 : i32
        %rem3A_324 = arith.constant 4 : i32
        %rem3A_325 = arith.remsi %sub3A_323, %rem3A_324 : i32
        %rem3A_326 = arith.constant 3 : i32
        %rem3A_327 = arith.remsi %sub3A_323, %rem3A_326 : i32
        %dma_wait3A_328 = arith.constant 1 : i32
        %dma_wait3A_329 = arith.constant 0 : i32
        %dma_wait3A_330 = tpu.memref_slice %arg7[%rem3A_325, %dma_wait3A_328, %dma_wait3A_329] : memref<4x2x80xi32, #tpu.memory_space<vmem>> -> memref<1x1x80xi32, #tpu.memory_space<vmem>>
        %dma_wait3A_331 = tpu.memref_squeeze %dma_wait3A_330 : memref<1x1x80xi32, #tpu.memory_space<vmem>> -> memref<80xi32, #tpu.memory_space<vmem>>
        %dma_wait3A_332 = arith.constant 0 : i32
        %dma_wait3A_333 = arith.constant 0 : i32
        %dma_wait3A_334 = tpu.memref_slice %arg14[%dma_wait3A_332, %dma_wait3A_333] : memref<10000x16xf32, #tpu.memory_space<vmem_shared>> -> memref<10000x16xf32, #tpu.memory_space<vmem_shared>>
        %dma_wait3A_335 = tpu.memref_slice %arg18[%rem3A_327] : memref<3x!tpu.dma_semaphore, #tpu.memory_space<semaphore_mem>> -> memref<1x!tpu.dma_semaphore, #tpu.memory_space<semaphore_mem>>
        %dma_wait3A_336 = tpu.memref_squeeze %dma_wait3A_335 : memref<1x!tpu.dma_semaphore, #tpu.memory_space<semaphore_mem>> -> memref<!tpu.dma_semaphore, #tpu.memory_space<semaphore_mem>>
        tpu.wait_indirect_dma semaphore(%dma_wait3A_336 : memref<!tpu.dma_semaphore, #tpu.memory_space<semaphore_mem>>) src(%arg11 : memref<80x16xf32, #tpu.memory_space<vmem>>) dst(%dma_wait3A_334 : memref<10000x16xf32, #tpu.memory_space<vmem_shared>>)
      } else {
      }
      %add3A_263 = arith.constant 3 : i32
      %add3A_264 = arith.addi %scan3A_226, %add3A_263 : i32
      %lt3A_265 = arith.constant 125 : i32
      %lt3A_266 = arith.cmpi slt, %add3A_264, %lt3A_265 : i32
      %convert_element_type3A_267 = arith.extui %lt3A_266 : i1 to i32
      %cond3A_268 = arith.constant 0 : i32
      %cond3A_269 = arith.cmpi ne, %convert_element_type3A_267, %cond3A_268 : i32
      scf.if %cond3A_269 {
        %add3A_302 = arith.constant 3 : i32
        %add3A_303 = arith.addi %scan3A_226, %add3A_302 : i32
        %mul3A_304 = arith.constant 80 : i32
        %mul3A_305 = arith.muli %add3A_303, %mul3A_304 : i32
        %add3A_306 = arith.addi %mul3A_2, %mul3A_305 : i32
        %rem3A_307 = arith.constant 4 : i32
        %rem3A_308 = arith.remsi %add3A_303, %rem3A_307 : i32
        %rem3A_309 = arith.constant 2 : i32
        %rem3A_310 = arith.remsi %add3A_303, %rem3A_309 : i32
        %dma_start3A_311 = arith.constant 0 : i32
        %dma_start3A_312 = arith.constant 0 : i32
        %dma_start3A_313 = tpu.memref_slice %arg7[%rem3A_308, %dma_start3A_311, %dma_start3A_312] : memref<4x2x80xi32, #tpu.memory_space<vmem>> -> memref<1x2x80xi32, #tpu.memory_space<vmem>>
        %dma_start3A_314 = tpu.memref_squeeze %dma_start3A_313 : memref<1x2x80xi32, #tpu.memory_space<vmem>> -> memref<2x80xi32, #tpu.memory_space<vmem>>
        %dma_start3A_315 = arith.constant 0 : i32
        %dma_start3A_316 = tpu.memref_slice %arg2[%dma_start3A_315, %add3A_306] : memref<2x320000xi32, #tpu.memory_space<hbm>> -> memref<2x80xi32, #tpu.memory_space<hbm>>
        %dma_start3A_317 = tpu.memref_slice %arg16[%rem3A_310] : memref<2x!tpu.dma_semaphore, #tpu.memory_space<semaphore_mem>> -> memref<1x!tpu.dma_semaphore, #tpu.memory_space<semaphore_mem>>
        %dma_start3A_318 = tpu.memref_squeeze %dma_start3A_317 : memref<1x!tpu.dma_semaphore, #tpu.memory_space<semaphore_mem>> -> memref<!tpu.dma_semaphore, #tpu.memory_space<semaphore_mem>>
        %dma_start3A_319 = arith.constant 0 : i32
        %dma_start3A_320 = arith.constant 0 : i32
        %dma_start3A_321 = tpu.memref_slice %arg7[%rem3A_308, %dma_start3A_319, %dma_start3A_320] : memref<4x2x80xi32, #tpu.memory_space<vmem>> -> memref<1x2x80xi32, #tpu.memory_space<vmem>>
        %dma_start3A_322 = tpu.memref_squeeze %dma_start3A_321 : memref<1x2x80xi32, #tpu.memory_space<vmem>> -> memref<2x80xi32, #tpu.memory_space<vmem>>
        %dma_start3A_323 = arith.constant 0 : i32
        %dma_start3A_324 = tpu.memref_slice %arg2[%dma_start3A_323, %add3A_306] : memref<2x320000xi32, #tpu.memory_space<hbm>> -> memref<2x80xi32, #tpu.memory_space<hbm>>
        tpu.enqueue_dma source(%dma_start3A_324 : memref<2x80xi32, #tpu.memory_space<hbm>>) target(%dma_start3A_322 : memref<2x80xi32, #tpu.memory_space<vmem>>) target_semaphore(%dma_start3A_318 : memref<!tpu.dma_semaphore, #tpu.memory_space<semaphore_mem>>)
        %add3A_325 = arith.constant 3 : i32
        %add3A_326 = arith.addi %scan3A_226, %add3A_325 : i32
        %mul3A_327 = arith.constant 80 : i32
        %mul3A_328 = arith.muli %add3A_326, %mul3A_327 : i32
        %add3A_329 = arith.addi %mul3A_2, %mul3A_328 : i32
        %rem3A_330 = arith.constant 3 : i32
        %rem3A_331 = arith.remsi %add3A_326, %rem3A_330 : i32
        %mul3A_332 = arith.constant 80 : i32
        %mul3A_333 = arith.muli %rem3A_331, %mul3A_332 : i32
        %rem3A_334 = arith.constant 2 : i32
        %rem3A_335 = arith.remsi %add3A_326, %rem3A_334 : i32
        %dma_start3A_336 = tpu.memref_slice %arg8[%mul3A_333] : memref<240xf32, #tpu.memory_space<vmem>> -> memref<80xf32, #tpu.memory_space<vmem>>
        %dma_start3A_337 = tpu.memref_slice %arg3[%add3A_329] : memref<320000xf32, #tpu.memory_space<hbm>> -> memref<80xf32, #tpu.memory_space<hbm>>
        %dma_start3A_338 = tpu.memref_slice %arg16[%rem3A_335] : memref<2x!tpu.dma_semaphore, #tpu.memory_space<semaphore_mem>> -> memref<1x!tpu.dma_semaphore, #tpu.memory_space<semaphore_mem>>
        %dma_start3A_339 = tpu.memref_squeeze %dma_start3A_338 : memref<1x!tpu.dma_semaphore, #tpu.memory_space<semaphore_mem>> -> memref<!tpu.dma_semaphore, #tpu.memory_space<semaphore_mem>>
        %dma_start3A_340 = tpu.memref_slice %arg8[%mul3A_333] : memref<240xf32, #tpu.memory_space<vmem>> -> memref<80xf32, #tpu.memory_space<vmem>>
        %dma_start3A_341 = tpu.memref_slice %arg3[%add3A_329] : memref<320000xf32, #tpu.memory_space<hbm>> -> memref<80xf32, #tpu.memory_space<hbm>>
        tpu.enqueue_dma source(%dma_start3A_341 : memref<80xf32, #tpu.memory_space<hbm>>) target(%dma_start3A_340 : memref<80xf32, #tpu.memory_space<vmem>>) target_semaphore(%dma_start3A_339 : memref<!tpu.dma_semaphore, #tpu.memory_space<semaphore_mem>>)
      } else {
      }
      %rem3A_270 = arith.constant 2 : i32
      %rem3A_271 = arith.remsi %scan3A_226, %rem3A_270 : i32
      %rem3A_272 = arith.constant 4 : i32
      %rem3A_273 = arith.remsi %scan3A_226, %rem3A_272 : i32
      %rem3A_274 = arith.constant 3 : i32
      %rem3A_275 = arith.remsi %scan3A_226, %rem3A_274 : i32
      %dma_start3A_276 = arith.constant 1 : i32
      %dma_start3A_277 = arith.constant 0 : i32
      %dma_start3A_278 = arith.constant 0 : i32
      %dma_start3A_279 = tpu.memref_slice %arg10[%rem3A_271, %dma_start3A_277, %dma_start3A_278] : memref<2x80x128xf32, #tpu.memory_space<vmem>> -> memref<1x80x128xf32, #tpu.memory_space<vmem>>
      %dma_start3A_280 = tpu.memref_squeeze %dma_start3A_279 : memref<1x80x128xf32, #tpu.memory_space<vmem>> -> memref<80x128xf32, #tpu.memory_space<vmem>>
      %dma_start3A_281 = arith.constant 0 : i32
      %dma_start3A_282 = tpu.memref_slice %arg7[%rem3A_273, %dma_start3A_276, %dma_start3A_281] : memref<4x2x80xi32, #tpu.memory_space<vmem>> -> memref<1x1x80xi32, #tpu.memory_space<vmem>>
      %dma_start3A_283 = tpu.memref_squeeze %dma_start3A_282 : memref<1x1x80xi32, #tpu.memory_space<vmem>> -> memref<80xi32, #tpu.memory_space<vmem>>
      %dma_start3A_284 = arith.constant 0 : i32
      %dma_start3A_285 = arith.constant 0 : i32
      %dma_start3A_286 = tpu.memref_slice %arg13[%dma_start3A_284, %dma_start3A_285] : memref<10000x128xf32, #tpu.memory_space<vmem_shared>> -> memref<10000x128xf32, #tpu.memory_space<vmem_shared>>
      %dma_start3A_287 = tpu.memref_slice %arg17[%rem3A_275] : memref<3x!tpu.dma_semaphore, #tpu.memory_space<semaphore_mem>> -> memref<1x!tpu.dma_semaphore, #tpu.memory_space<semaphore_mem>>
      %dma_start3A_288 = tpu.memref_squeeze %dma_start3A_287 : memref<1x!tpu.dma_semaphore, #tpu.memory_space<semaphore_mem>> -> memref<!tpu.dma_semaphore, #tpu.memory_space<semaphore_mem>>
      tpu.enqueue_indirect_dma source(%dma_start3A_280 : memref<80x128xf32, #tpu.memory_space<vmem>>) target(%dma_start3A_286 : memref<10000x128xf32, #tpu.memory_space<vmem_shared>>) offsets(%dma_start3A_283 : memref<80xi32, #tpu.memory_space<vmem>>) semaphore(%dma_start3A_288 : memref<!tpu.dma_semaphore, #tpu.memory_space<semaphore_mem>>) {add = true}
      %rem3A_289 = arith.constant 4 : i32
      %rem3A_290 = arith.remsi %scan3A_226, %rem3A_289 : i32
      %rem3A_291 = arith.constant 3 : i32
      %rem3A_292 = arith.remsi %scan3A_226, %rem3A_291 : i32
      %dma_start3A_293 = arith.constant 1 : i32
      %dma_start3A_294 = arith.constant 0 : i32
      %dma_start3A_295 = tpu.memref_slice %arg7[%rem3A_290, %dma_start3A_293, %dma_start3A_294] : memref<4x2x80xi32, #tpu.memory_space<vmem>> -> memref<1x1x80xi32, #tpu.memory_space<vmem>>
      %dma_start3A_296 = tpu.memref_squeeze %dma_start3A_295 : memref<1x1x80xi32, #tpu.memory_space<vmem>> -> memref<80xi32, #tpu.memory_space<vmem>>
      %dma_start3A_297 = arith.constant 0 : i32
      %dma_start3A_298 = arith.constant 0 : i32
      %dma_start3A_299 = tpu.memref_slice %arg14[%dma_start3A_297, %dma_start3A_298] : memref<10000x16xf32, #tpu.memory_space<vmem_shared>> -> memref<10000x16xf32, #tpu.memory_space<vmem_shared>>
      %dma_start3A_300 = tpu.memref_slice %arg18[%rem3A_292] : memref<3x!tpu.dma_semaphore, #tpu.memory_space<semaphore_mem>> -> memref<1x!tpu.dma_semaphore, #tpu.memory_space<semaphore_mem>>
      %dma_start3A_301 = tpu.memref_squeeze %dma_start3A_300 : memref<1x!tpu.dma_semaphore, #tpu.memory_space<semaphore_mem>> -> memref<!tpu.dma_semaphore, #tpu.memory_space<semaphore_mem>>
      tpu.enqueue_indirect_dma source(%arg11 : memref<80x16xf32, #tpu.memory_space<vmem>>) target(%dma_start3A_299 : memref<10000x16xf32, #tpu.memory_space<vmem_shared>>) offsets(%dma_start3A_296 : memref<80xi32, #tpu.memory_space<vmem>>) semaphore(%dma_start3A_301 : memref<!tpu.dma_semaphore, #tpu.memory_space<semaphore_mem>>) {add = true}
    }
    %scan3A_177 = arith.constant 125 : i32
    %rem3A_178 = arith.constant 124 : i32
    %rem3A_179 = arith.constant 2 : i32
    %rem3A_180 = arith.remsi %rem3A_178, %rem3A_179 : i32
    %rem3A_181 = arith.constant 124 : i32
    %rem3A_182 = arith.constant 4 : i32
    %rem3A_183 = arith.remsi %rem3A_181, %rem3A_182 : i32
    %rem3A_184 = arith.constant 124 : i32
    %rem3A_185 = arith.constant 3 : i32
    %rem3A_186 = arith.remsi %rem3A_184, %rem3A_185 : i32
    %dma_wait3A_187 = arith.constant 1 : i32
    %dma_wait3A_188 = arith.constant 0 : i32
    %dma_wait3A_189 = arith.constant 0 : i32
    %dma_wait3A_190 = tpu.memref_slice %arg10[%rem3A_180, %dma_wait3A_188, %dma_wait3A_189] : memref<2x80x128xf32, #tpu.memory_space<vmem>> -> memref<1x80x128xf32, #tpu.memory_space<vmem>>
    %dma_wait3A_191 = tpu.memref_squeeze %dma_wait3A_190 : memref<1x80x128xf32, #tpu.memory_space<vmem>> -> memref<80x128xf32, #tpu.memory_space<vmem>>
    %dma_wait3A_192 = arith.constant 0 : i32
    %dma_wait3A_193 = tpu.memref_slice %arg7[%rem3A_183, %dma_wait3A_187, %dma_wait3A_192] : memref<4x2x80xi32, #tpu.memory_space<vmem>> -> memref<1x1x80xi32, #tpu.memory_space<vmem>>
    %dma_wait3A_194 = tpu.memref_squeeze %dma_wait3A_193 : memref<1x1x80xi32, #tpu.memory_space<vmem>> -> memref<80xi32, #tpu.memory_space<vmem>>
    %dma_wait3A_195 = arith.constant 0 : i32
    %dma_wait3A_196 = arith.constant 0 : i32
    %dma_wait3A_197 = tpu.memref_slice %arg13[%dma_wait3A_195, %dma_wait3A_196] : memref<10000x128xf32, #tpu.memory_space<vmem_shared>> -> memref<10000x128xf32, #tpu.memory_space<vmem_shared>>
    %dma_wait3A_198 = tpu.memref_slice %arg17[%rem3A_186] : memref<3x!tpu.dma_semaphore, #tpu.memory_space<semaphore_mem>> -> memref<1x!tpu.dma_semaphore, #tpu.memory_space<semaphore_mem>>
    %dma_wait3A_199 = tpu.memref_squeeze %dma_wait3A_198 : memref<1x!tpu.dma_semaphore, #tpu.memory_space<semaphore_mem>> -> memref<!tpu.dma_semaphore, #tpu.memory_space<semaphore_mem>>
    tpu.wait_indirect_dma semaphore(%dma_wait3A_199 : memref<!tpu.dma_semaphore, #tpu.memory_space<semaphore_mem>>) src(%dma_wait3A_191 : memref<80x128xf32, #tpu.memory_space<vmem>>) dst(%dma_wait3A_197 : memref<10000x128xf32, #tpu.memory_space<vmem_shared>>)
    %rem3A_200 = arith.constant 124 : i32
    %rem3A_201 = arith.constant 4 : i32
    %rem3A_202 = arith.remsi %rem3A_200, %rem3A_201 : i32
    %rem3A_203 = arith.constant 124 : i32
    %rem3A_204 = arith.constant 3 : i32
    %rem3A_205 = arith.remsi %rem3A_203, %rem3A_204 : i32
    %dma_wait3A_206 = arith.constant 1 : i32
    %dma_wait3A_207 = arith.constant 0 : i32
    %dma_wait3A_208 = tpu.memref_slice %arg7[%rem3A_202, %dma_wait3A_206, %dma_wait3A_207] : memref<4x2x80xi32, #tpu.memory_space<vmem>> -> memref<1x1x80xi32, #tpu.memory_space<vmem>>
    %dma_wait3A_209 = tpu.memref_squeeze %dma_wait3A_208 : memref<1x1x80xi32, #tpu.memory_space<vmem>> -> memref<80xi32, #tpu.memory_space<vmem>>
    %dma_wait3A_210 = arith.constant 0 : i32
    %dma_wait3A_211 = arith.constant 0 : i32
    %dma_wait3A_212 = tpu.memref_slice %arg14[%dma_wait3A_210, %dma_wait3A_211] : memref<10000x16xf32, #tpu.memory_space<vmem_shared>> -> memref<10000x16xf32, #tpu.memory_space<vmem_shared>>
    %dma_wait3A_213 = tpu.memref_slice %arg18[%rem3A_205] : memref<3x!tpu.dma_semaphore, #tpu.memory_space<semaphore_mem>> -> memref<1x!tpu.dma_semaphore, #tpu.memory_space<semaphore_mem>>
    %dma_wait3A_214 = tpu.memref_squeeze %dma_wait3A_213 : memref<1x!tpu.dma_semaphore, #tpu.memory_space<semaphore_mem>> -> memref<!tpu.dma_semaphore, #tpu.memory_space<semaphore_mem>>
    tpu.wait_indirect_dma semaphore(%dma_wait3A_214 : memref<!tpu.dma_semaphore, #tpu.memory_space<semaphore_mem>>) src(%arg11 : memref<80x16xf32, #tpu.memory_space<vmem>>) dst(%dma_wait3A_212 : memref<10000x16xf32, #tpu.memory_space<vmem_shared>>)
    %barrier3A_215 = arith.constant 0 : index
    tpu.barrier barrier_id(%barrier3A_215)
    %lt3A_216 = arith.constant 15 : i32
    %lt3A_217 = arith.cmpi slt, %arg1, %lt3A_216 : i32
    %convert_element_type3A_218 = arith.extui %lt3A_217 : i1 to i32
    %cond3A_219 = arith.constant 0 : i32
    %cond3A_220 = arith.cmpi ne, %convert_element_type3A_218, %cond3A_219 : i32
    scf.if %cond3A_220 {
      %mul3A_226 = arith.constant 640 : i32
      %mul3A_227 = arith.muli %arg1, %mul3A_226 : i32
      %mul3A_228 = arith.constant 640 : i32
      %mul3A_229 = arith.muli %arg1, %mul3A_228 : i32
      "tpu.region"() ({
        %run_scoped3A_234 = tpu.sem_alloc : memref<!tpu.dma_semaphore, #tpu.memory_space<semaphore_mem>>
        %dma_start3A_235 = arith.constant 0 : i32
        %dma_start3A_236 = tpu.memref_slice %arg5[%arg0, %mul3A_229, %dma_start3A_235] : memref<2x10000x128xf32, #tpu.memory_space<hbm>> -> memref<1x640x128xf32, #tpu.memory_space<hbm>>
        %dma_start3A_237 = tpu.memref_squeeze %dma_start3A_236 : memref<1x640x128xf32, #tpu.memory_space<hbm>> -> memref<640x128xf32, #tpu.memory_space<hbm>>
        %dma_start3A_238 = arith.constant 0 : i32
        %dma_start3A_239 = tpu.memref_slice %arg13[%mul3A_227, %dma_start3A_238] : memref<10000x128xf32, #tpu.memory_space<vmem_shared>> -> memref<640x128xf32, #tpu.memory_space<vmem_shared>>
        tpu.enqueue_dma source(%dma_start3A_239 : memref<640x128xf32, #tpu.memory_space<vmem_shared>>) target(%dma_start3A_237 : memref<640x128xf32, #tpu.memory_space<hbm>>) target_semaphore(%run_scoped3A_234 : memref<!tpu.dma_semaphore, #tpu.memory_space<semaphore_mem>>)
        %dma_wait3A_240 = arith.constant 0 : i32
        %dma_wait3A_241 = tpu.memref_slice %arg5[%arg0, %mul3A_229, %dma_wait3A_240] : memref<2x10000x128xf32, #tpu.memory_space<hbm>> -> memref<1x640x128xf32, #tpu.memory_space<hbm>>
        %dma_wait3A_242 = tpu.memref_squeeze %dma_wait3A_241 : memref<1x640x128xf32, #tpu.memory_space<hbm>> -> memref<640x128xf32, #tpu.memory_space<hbm>>
        %dma_wait3A_243 = arith.constant 0 : i32
        %dma_wait3A_244 = tpu.memref_slice %arg13[%mul3A_227, %dma_wait3A_243] : memref<10000x128xf32, #tpu.memory_space<vmem_shared>> -> memref<640x128xf32, #tpu.memory_space<vmem_shared>>
        tpu.wait_dma2 semaphore(%run_scoped3A_234 : memref<!tpu.dma_semaphore, #tpu.memory_space<semaphore_mem>>) src(%dma_wait3A_244 : memref<640x128xf32, #tpu.memory_space<vmem_shared>>) dst(%dma_wait3A_242 : memref<640x128xf32, #tpu.memory_space<hbm>>)
        tpu.yield
      }) : () -> ()
      %mul3A_230 = arith.constant 640 : i32
      %mul3A_231 = arith.muli %arg1, %mul3A_230 : i32
      %mul3A_232 = arith.constant 640 : i32
      %mul3A_233 = arith.muli %arg1, %mul3A_232 : i32
      "tpu.region"() ({
        %run_scoped3A_234 = tpu.sem_alloc : memref<!tpu.dma_semaphore, #tpu.memory_space<semaphore_mem>>
        %dma_start3A_235 = arith.constant 0 : i32
        %dma_start3A_236 = tpu.memref_slice %arg6[%arg0, %mul3A_233, %dma_start3A_235] : memref<2x10000x16xf32, #tpu.memory_space<hbm>> -> memref<1x640x16xf32, #tpu.memory_space<hbm>>
        %dma_start3A_237 = tpu.memref_squeeze %dma_start3A_236 : memref<1x640x16xf32, #tpu.memory_space<hbm>> -> memref<640x16xf32, #tpu.memory_space<hbm>>
        %dma_start3A_238 = arith.constant 0 : i32
        %dma_start3A_239 = tpu.memref_slice %arg14[%mul3A_231, %dma_start3A_238] : memref<10000x16xf32, #tpu.memory_space<vmem_shared>> -> memref<640x16xf32, #tpu.memory_space<vmem_shared>>
        tpu.enqueue_dma source(%dma_start3A_239 : memref<640x16xf32, #tpu.memory_space<vmem_shared>>) target(%dma_start3A_237 : memref<640x16xf32, #tpu.memory_space<hbm>>) target_semaphore(%run_scoped3A_234 : memref<!tpu.dma_semaphore, #tpu.memory_space<semaphore_mem>>)
        %dma_wait3A_240 = arith.constant 0 : i32
        %dma_wait3A_241 = tpu.memref_slice %arg6[%arg0, %mul3A_233, %dma_wait3A_240] : memref<2x10000x16xf32, #tpu.memory_space<hbm>> -> memref<1x640x16xf32, #tpu.memory_space<hbm>>
        %dma_wait3A_242 = tpu.memref_squeeze %dma_wait3A_241 : memref<1x640x16xf32, #tpu.memory_space<hbm>> -> memref<640x16xf32, #tpu.memory_space<hbm>>
        %dma_wait3A_243 = arith.constant 0 : i32
        %dma_wait3A_244 = tpu.memref_slice %arg14[%mul3A_231, %dma_wait3A_243] : memref<10000x16xf32, #tpu.memory_space<vmem_shared>> -> memref<640x16xf32, #tpu.memory_space<vmem_shared>>
        tpu.wait_dma2 semaphore(%run_scoped3A_234 : memref<!tpu.dma_semaphore, #tpu.memory_space<semaphore_mem>>) src(%dma_wait3A_244 : memref<640x16xf32, #tpu.memory_space<vmem_shared>>) dst(%dma_wait3A_242 : memref<640x16xf32, #tpu.memory_space<hbm>>)
        tpu.yield
      }) : () -> ()
    } else {
    }
    %eq3A_221 = arith.constant 15 : i32
    %eq3A_222 = arith.cmpi eq, %arg1, %eq3A_221 : i32
    %convert_element_type3A_223 = arith.extui %eq3A_222 : i1 to i32
    %cond3A_224 = arith.constant 0 : i32
    %cond3A_225 = arith.cmpi ne, %convert_element_type3A_223, %cond3A_224 : i32
    scf.if %cond3A_225 {
      "tpu.region"() ({
        %run_scoped3A_226 = tpu.sem_alloc : memref<!tpu.dma_semaphore, #tpu.memory_space<semaphore_mem>>
        %dma_start3A_227 = arith.constant 9600 : i32
        %dma_start3A_228 = arith.constant 0 : i32
        %dma_start3A_229 = tpu.memref_slice %arg5[%arg0, %dma_start3A_227, %dma_start3A_228] : memref<2x10000x128xf32, #tpu.memory_space<hbm>> -> memref<1x400x128xf32, #tpu.memory_space<hbm>>
        %dma_start3A_230 = tpu.memref_squeeze %dma_start3A_229 : memref<1x400x128xf32, #tpu.memory_space<hbm>> -> memref<400x128xf32, #tpu.memory_space<hbm>>
        %dma_start3A_231 = arith.constant 9600 : i32
        %dma_start3A_232 = arith.constant 0 : i32
        %dma_start3A_233 = tpu.memref_slice %arg13[%dma_start3A_231, %dma_start3A_232] : memref<10000x128xf32, #tpu.memory_space<vmem_shared>> -> memref<400x128xf32, #tpu.memory_space<vmem_shared>>
        tpu.enqueue_dma source(%dma_start3A_233 : memref<400x128xf32, #tpu.memory_space<vmem_shared>>) target(%dma_start3A_230 : memref<400x128xf32, #tpu.memory_space<hbm>>) target_semaphore(%run_scoped3A_226 : memref<!tpu.dma_semaphore, #tpu.memory_space<semaphore_mem>>)
        %dma_wait3A_234 = arith.constant 9600 : i32
        %dma_wait3A_235 = arith.constant 0 : i32
        %dma_wait3A_236 = tpu.memref_slice %arg5[%arg0, %dma_wait3A_234, %dma_wait3A_235] : memref<2x10000x128xf32, #tpu.memory_space<hbm>> -> memref<1x400x128xf32, #tpu.memory_space<hbm>>
        %dma_wait3A_237 = tpu.memref_squeeze %dma_wait3A_236 : memref<1x400x128xf32, #tpu.memory_space<hbm>> -> memref<400x128xf32, #tpu.memory_space<hbm>>
        %dma_wait3A_238 = arith.constant 9600 : i32
        %dma_wait3A_239 = arith.constant 0 : i32
        %dma_wait3A_240 = tpu.memref_slice %arg13[%dma_wait3A_238, %dma_wait3A_239] : memref<10000x128xf32, #tpu.memory_space<vmem_shared>> -> memref<400x128xf32, #tpu.memory_space<vmem_shared>>
        tpu.wait_dma2 semaphore(%run_scoped3A_226 : memref<!tpu.dma_semaphore, #tpu.memory_space<semaphore_mem>>) src(%dma_wait3A_240 : memref<400x128xf32, #tpu.memory_space<vmem_shared>>) dst(%dma_wait3A_237 : memref<400x128xf32, #tpu.memory_space<hbm>>)
        tpu.yield
      }) : () -> ()
      "tpu.region"() ({
        %run_scoped3A_226 = tpu.sem_alloc : memref<!tpu.dma_semaphore, #tpu.memory_space<semaphore_mem>>
        %dma_start3A_227 = arith.constant 9600 : i32
        %dma_start3A_228 = arith.constant 0 : i32
        %dma_start3A_229 = tpu.memref_slice %arg6[%arg0, %dma_start3A_227, %dma_start3A_228] : memref<2x10000x16xf32, #tpu.memory_space<hbm>> -> memref<1x400x16xf32, #tpu.memory_space<hbm>>
        %dma_start3A_230 = tpu.memref_squeeze %dma_start3A_229 : memref<1x400x16xf32, #tpu.memory_space<hbm>> -> memref<400x16xf32, #tpu.memory_space<hbm>>
        %dma_start3A_231 = arith.constant 9600 : i32
        %dma_start3A_232 = arith.constant 0 : i32
        %dma_start3A_233 = tpu.memref_slice %arg14[%dma_start3A_231, %dma_start3A_232] : memref<10000x16xf32, #tpu.memory_space<vmem_shared>> -> memref<400x16xf32, #tpu.memory_space<vmem_shared>>
        tpu.enqueue_dma source(%dma_start3A_233 : memref<400x16xf32, #tpu.memory_space<vmem_shared>>) target(%dma_start3A_230 : memref<400x16xf32, #tpu.memory_space<hbm>>) target_semaphore(%run_scoped3A_226 : memref<!tpu.dma_semaphore, #tpu.memory_space<semaphore_mem>>)
        %dma_wait3A_234 = arith.constant 9600 : i32
        %dma_wait3A_235 = arith.constant 0 : i32
        %dma_wait3A_236 = tpu.memref_slice %arg6[%arg0, %dma_wait3A_234, %dma_wait3A_235] : memref<2x10000x16xf32, #tpu.memory_space<hbm>> -> memref<1x400x16xf32, #tpu.memory_space<hbm>>
        %dma_wait3A_237 = tpu.memref_squeeze %dma_wait3A_236 : memref<1x400x16xf32, #tpu.memory_space<hbm>> -> memref<400x16xf32, #tpu.memory_space<hbm>>
        %dma_wait3A_238 = arith.constant 9600 : i32
        %dma_wait3A_239 = arith.constant 0 : i32
        %dma_wait3A_240 = tpu.memref_slice %arg14[%dma_wait3A_238, %dma_wait3A_239] : memref<10000x16xf32, #tpu.memory_space<vmem_shared>> -> memref<400x16xf32, #tpu.memory_space<vmem_shared>>
        tpu.wait_dma2 semaphore(%run_scoped3A_226 : memref<!tpu.dma_semaphore, #tpu.memory_space<semaphore_mem>>) src(%dma_wait3A_240 : memref<400x16xf32, #tpu.memory_space<vmem_shared>>) dst(%dma_wait3A_237 : memref<400x16xf32, #tpu.memory_space<hbm>>)
        tpu.yield
      }) : () -> ()
    } else {
    }
    return
  }
}

module attributes {stable_mosaic.version = 14 : i64} {
  func.func @_dense_body(%arg0: memref<10000x128xf32, #tpu.memory_space<vmem>>, %arg1: memref<2x10000x128xf32, #tpu.memory_space<any>>, %arg2: memref<2x10000x16xf32, #tpu.memory_space<any>>, %arg3: memref<128x128xf32, #tpu.memory_space<vmem>>, %arg4: memref<128x128xf32, #tpu.memory_space<vmem>>, %arg5: memref<128xf32, #tpu.memory_space<vmem>>, %arg6: memref<128xf32, #tpu.memory_space<vmem>>, %arg7: memref<128xf32, #tpu.memory_space<vmem>>, %arg8: memref<160x128xf32, #tpu.memory_space<vmem>>, %arg9: memref<160xf32, #tpu.memory_space<vmem>>, %arg10: memref<10000x160xf32, #tpu.memory_space<vmem>>, %arg11: memref<2x10000x128xf32, #tpu.memory_space<vmem>>, %arg12: memref<2x10000x16xf32, #tpu.memory_space<vmem>>, %arg13: memref<!tpu.dma_semaphore, #tpu.memory_space<semaphore_mem>>) attributes {dimension_semantics = [], scalar_prefetch = 0 : i64, scratch_operands = 3 : i64, tpu.core_type = #tpu.core_type<tc>} {
    tpu.enqueue_dma source(%arg1 : memref<2x10000x128xf32, #tpu.memory_space<any>>) target(%arg11 : memref<2x10000x128xf32, #tpu.memory_space<vmem>>) target_semaphore(%arg13 : memref<!tpu.dma_semaphore, #tpu.memory_space<semaphore_mem>>)
    tpu.wait_dma2 semaphore(%arg13 : memref<!tpu.dma_semaphore, #tpu.memory_space<semaphore_mem>>) src(%arg1 : memref<2x10000x128xf32, #tpu.memory_space<any>>) dst(%arg11 : memref<2x10000x128xf32, #tpu.memory_space<vmem>>)
    tpu.enqueue_dma source(%arg2 : memref<2x10000x16xf32, #tpu.memory_space<any>>) target(%arg12 : memref<2x10000x16xf32, #tpu.memory_space<vmem>>) target_semaphore(%arg13 : memref<!tpu.dma_semaphore, #tpu.memory_space<semaphore_mem>>)
    tpu.wait_dma2 semaphore(%arg13 : memref<!tpu.dma_semaphore, #tpu.memory_space<semaphore_mem>>) src(%arg2 : memref<2x10000x16xf32, #tpu.memory_space<any>>) dst(%arg12 : memref<2x10000x16xf32, #tpu.memory_space<vmem>>)
    %get3A = arith.constant 0 : index
    %get3A_0 = arith.constant 0 : index
    %get3A_1 = arith.constant 0 : index
    %get3A_2 = vector.load %arg11[%get3A, %get3A_0, %get3A_1] : memref<2x10000x128xf32, #tpu.memory_space<vmem>>, vector<1x10000x128xf32>
    %get3A_3 = vector.shape_cast %get3A_2 : vector<1x10000x128xf32> to vector<10000x128xf32>
    %get3A_4 = arith.constant 1 : index
    %get3A_5 = arith.constant 0 : index
    %get3A_6 = arith.constant 0 : index
    %get3A_7 = vector.load %arg11[%get3A_4, %get3A_5, %get3A_6] : memref<2x10000x128xf32, #tpu.memory_space<vmem>>, vector<1x10000x128xf32>
    %get3A_8 = vector.shape_cast %get3A_7 : vector<1x10000x128xf32> to vector<10000x128xf32>
    %add3A = arith.addf %get3A_3, %get3A_8 : vector<10000x128xf32>
    %get3A_9 = arith.constant 0 : index
    %get3A_10 = arith.constant 0 : index
    %get3A_11 = arith.constant 0 : index
    %get3A_12 = vector.load %arg12[%get3A_9, %get3A_10, %get3A_11] : memref<2x10000x16xf32, #tpu.memory_space<vmem>>, vector<1x10000x1xf32>
    %get3A_13 = vector.shape_cast %get3A_12 : vector<1x10000x1xf32> to vector<10000x1xf32>
    %get3A_14 = arith.constant 1 : index
    %get3A_15 = arith.constant 0 : index
    %get3A_16 = arith.constant 0 : index
    %get3A_17 = vector.load %arg12[%get3A_14, %get3A_15, %get3A_16] : memref<2x10000x16xf32, #tpu.memory_space<vmem>>, vector<1x10000x1xf32>
    %get3A_18 = vector.shape_cast %get3A_17 : vector<1x10000x1xf32> to vector<10000x1xf32>
    %add3A_19 = arith.addf %get3A_13, %get3A_18 : vector<10000x1xf32>
    %max3A = arith.constant 1.000000e+00 : f32
    %max3A_20 = vector.broadcast %max3A : f32 to vector<10000x1xf32>
    %max3A_21 = arith.maximumf %add3A_19, %max3A_20 : vector<10000x1xf32>
    %div3A = arith.constant 1.000000e+00 : f32
    %div3A_22 = vector.broadcast %div3A : f32 to vector<10000x1xf32>
    %div3A_23 = arith.divf %div3A_22, %max3A_21 : vector<10000x1xf32>
    %mul3A = vector.broadcast %div3A_23 : vector<10000x1xf32> to vector<10000x128xf32>
    %mul3A_24 = arith.mulf %add3A, %mul3A : vector<10000x128xf32>
    %get3A_25 = arith.constant 0 : index
    %get3A_26 = arith.constant 0 : index
    %get3A_27 = vector.load %arg4[%get3A_25, %get3A_26] : memref<128x128xf32, #tpu.memory_space<vmem>>, vector<128x128xf32>
    %transpose3A = tpu.transpose %get3A_27, [1, 0] : vector<128x128xf32> -> vector<128x128xf32>
    %dot_general3A = arith.constant dense<0.000000e+00> : vector<10000x128xf32>
    %dot_general3A_28 = tpu.matmul %mul3A_24, %transpose3A, %dot_general3A {dimension_numbers = #tpu.dot_dimension_numbers<[1], [0], [0], [1], [0, 0, 1, 1], [], []>, transpose_lhs_hint = false} : vector<10000x128xf32>, vector<128x128xf32>, vector<10000x128xf32> -> vector<10000x128xf32>
    %get3A_29 = arith.constant 0 : index
    %get3A_30 = arith.constant 0 : index
    %get3A_31 = vector.load %arg0[%get3A_29, %get3A_30] : memref<10000x128xf32, #tpu.memory_space<vmem>>, vector<10000x128xf32>
    %get3A_32 = arith.constant 0 : index
    %get3A_33 = arith.constant 0 : index
    %get3A_34 = vector.load %arg3[%get3A_32, %get3A_33] : memref<128x128xf32, #tpu.memory_space<vmem>>, vector<128x128xf32>
    %transpose3A_35 = tpu.transpose %get3A_34, [1, 0] : vector<128x128xf32> -> vector<128x128xf32>
    %dot_general3A_36 = arith.constant dense<0.000000e+00> : vector<10000x128xf32>
    %dot_general3A_37 = tpu.matmul %get3A_31, %transpose3A_35, %dot_general3A_36 {dimension_numbers = #tpu.dot_dimension_numbers<[1], [0], [0], [1], [0, 0, 1, 1], [], []>, transpose_lhs_hint = false} : vector<10000x128xf32>, vector<128x128xf32>, vector<10000x128xf32> -> vector<10000x128xf32>
    %add3A_38 = arith.addf %dot_general3A_37, %dot_general3A_28 : vector<10000x128xf32>
    %get3A_39 = arith.constant 0 : index
    %get3A_40 = vector.load %arg5[%get3A_39] : memref<128xf32, #tpu.memory_space<vmem>>, vector<128xf32>
    %broadcast_in_dim3A = vector.shape_cast %get3A_40 : vector<128xf32> to vector<1x128xf32>
    %add3A_41 = vector.broadcast %broadcast_in_dim3A : vector<1x128xf32> to vector<10000x128xf32>
    %add3A_42 = arith.addf %add3A_38, %add3A_41 : vector<10000x128xf32>
    %max3A_43 = arith.constant 0.000000e+00 : f32
    %max3A_44 = vector.broadcast %max3A_43 : f32 to vector<10000x128xf32>
    %max3A_45 = arith.maximumf %add3A_42, %max3A_44 : vector<10000x128xf32>
    %reduce_sum3A = arith.constant dense<0.000000e+00> : vector<128xf32>
    %reduce_sum3A_46 = vector.multi_reduction <add>, %max3A_45, %reduce_sum3A [0] : vector<10000x128xf32> to vector<128xf32>
    %broadcast_in_dim3A_47 = vector.shape_cast %reduce_sum3A_46 : vector<128xf32> to vector<1x128xf32>
    %div3A_48 = arith.constant 1.000000e+04 : f32
    %div3A_49 = vector.broadcast %div3A_48 : f32 to vector<1x128xf32>
    %div3A_50 = arith.divf %broadcast_in_dim3A_47, %div3A_49 : vector<1x128xf32>
    %sub3A = vector.broadcast %div3A_50 : vector<1x128xf32> to vector<10000x128xf32>
    %sub3A_51 = arith.subf %max3A_45, %sub3A : vector<10000x128xf32>
    %sub3A_52 = vector.broadcast %div3A_50 : vector<1x128xf32> to vector<10000x128xf32>
    %sub3A_53 = arith.subf %max3A_45, %sub3A_52 : vector<10000x128xf32>
    %mul3A_54 = arith.mulf %sub3A_51, %sub3A_53 : vector<10000x128xf32>
    %reduce_sum3A_55 = arith.constant dense<0.000000e+00> : vector<128xf32>
    %reduce_sum3A_56 = vector.multi_reduction <add>, %mul3A_54, %reduce_sum3A_55 [0] : vector<10000x128xf32> to vector<128xf32>
    %broadcast_in_dim3A_57 = vector.shape_cast %reduce_sum3A_56 : vector<128xf32> to vector<1x128xf32>
    %div3A_58 = arith.constant 1.000000e+04 : f32
    %div3A_59 = vector.broadcast %div3A_58 : f32 to vector<1x128xf32>
    %div3A_60 = arith.divf %broadcast_in_dim3A_57, %div3A_59 : vector<1x128xf32>
    %sub3A_61 = vector.broadcast %div3A_50 : vector<1x128xf32> to vector<10000x128xf32>
    %sub3A_62 = arith.subf %max3A_45, %sub3A_61 : vector<10000x128xf32>
    %add3A_63 = arith.constant 9.99999974E-6 : f32
    %add3A_64 = vector.broadcast %add3A_63 : f32 to vector<1x128xf32>
    %add3A_65 = arith.addf %div3A_60, %add3A_64 : vector<1x128xf32>
    %rsqrt3A = math.rsqrt %add3A_65 : vector<1x128xf32>
    %mul3A_66 = vector.broadcast %rsqrt3A : vector<1x128xf32> to vector<10000x128xf32>
    %mul3A_67 = arith.mulf %sub3A_62, %mul3A_66 : vector<10000x128xf32>
    %get3A_68 = arith.constant 0 : index
    %get3A_69 = vector.load %arg6[%get3A_68] : memref<128xf32, #tpu.memory_space<vmem>>, vector<128xf32>
    %broadcast_in_dim3A_70 = vector.shape_cast %get3A_69 : vector<128xf32> to vector<1x128xf32>
    %mul3A_71 = vector.broadcast %broadcast_in_dim3A_70 : vector<1x128xf32> to vector<10000x128xf32>
    %mul3A_72 = arith.mulf %mul3A_67, %mul3A_71 : vector<10000x128xf32>
    %get3A_73 = arith.constant 0 : index
    %get3A_74 = vector.load %arg7[%get3A_73] : memref<128xf32, #tpu.memory_space<vmem>>, vector<128xf32>
    %broadcast_in_dim3A_75 = vector.shape_cast %get3A_74 : vector<128xf32> to vector<1x128xf32>
    %add3A_76 = vector.broadcast %broadcast_in_dim3A_75 : vector<1x128xf32> to vector<10000x128xf32>
    %add3A_77 = arith.addf %mul3A_72, %add3A_76 : vector<10000x128xf32>
    %get3A_78 = arith.constant 0 : index
    %get3A_79 = arith.constant 0 : index
    %get3A_80 = vector.load %arg8[%get3A_78, %get3A_79] : memref<160x128xf32, #tpu.memory_space<vmem>>, vector<160x128xf32>
    %transpose3A_81 = tpu.transpose %get3A_80, [1, 0] : vector<160x128xf32> -> vector<128x160xf32>
    %dot_general3A_82 = arith.constant dense<0.000000e+00> : vector<10000x160xf32>
    %dot_general3A_83 = tpu.matmul %add3A_77, %transpose3A_81, %dot_general3A_82 {dimension_numbers = #tpu.dot_dimension_numbers<[1], [0], [0], [1], [0, 0, 1, 1], [], []>, transpose_lhs_hint = false} : vector<10000x128xf32>, vector<128x160xf32>, vector<10000x160xf32> -> vector<10000x160xf32>
    %get3A_84 = arith.constant 0 : index
    %get3A_85 = vector.load %arg9[%get3A_84] : memref<160xf32, #tpu.memory_space<vmem>>, vector<160xf32>
    %broadcast_in_dim3A_86 = vector.shape_cast %get3A_85 : vector<160xf32> to vector<1x160xf32>
    %add3A_87 = vector.broadcast %broadcast_in_dim3A_86 : vector<1x160xf32> to vector<10000x160xf32>
    %add3A_88 = arith.addf %dot_general3A_83, %add3A_87 : vector<10000x160xf32>
    %swap3A = arith.constant 0 : index
    %swap3A_89 = arith.constant 0 : index
    %swap3A_90 = vector.load %arg10[%swap3A, %swap3A_89] : memref<10000x160xf32, #tpu.memory_space<vmem>>, vector<10000x160xf32>
    tpu.vector_store %arg10[%swap3A, %swap3A_89], %add3A_88 {strides = array<i32>} : memref<10000x160xf32, #tpu.memory_space<vmem>>, vector<10000x160xf32>,
    return
  }
}

</mosaic_0001>

<sc_bundles>
// kernel: kernel.4.cloned.1.call-start
scs
__scs_entry_jumppad:
0x0: {  	(pc) =	sbr.rel $0x88, $3  }
0x1: {  	(tag) =	ssettag $0x0;
	lr =	simm.s32 $0x1  }
0x2: {  	[smem:$0x3F97] =	sst lr;
	_ =	strace $0xD0000000  }
0x3: {  	_ = 	snop  }
0x4: {  	_ = 	snop  }
0x5: {  	_ = 	snop  }
0x6: {  	_ = 	snop  }
0x7: {  	_ = 	snop  }
__scs_overlays_trampoline_lowered:
0x8: {  	[smem:$0x3FA6] =	sst s0  }
0x9: {  	[smem:$0x3FA7] =	sst s1  }
0xa: {  	[smem:$0x3FA8] =	sst s2  }
0xb: {  	[smem:$0x3FA9] =	sst s3  }
0xc: {  	[smem:$0x3FAA] =	sst s4  }
0xd: {  	[smem:$0x3FAB] =	sst s5  }
0xe: {  	[smem:$0x3FAC] =	sst s6  }
0xf: {  	[smem:$0x3FAD] =	sst s7  }
0x10: {  	[smem:$0x3FAE] =	sst s8  }
0x11: {  	[smem:$0x3FAF] =	sst s9;
	s0 =	simm.s32 @!p0 $0x0  }
0x12: {  	s1 =	sld [smem:$0x3F95];
	s0 =	simm.s32 @p0 $0x1  }
0x13: {  	[smem:$0x3FB0] =	sst s0;
	s0 =	simm.s32 @!p1 $0x0  }
0x14: {  	s2 =	sld [smem:$0x3F94];
	s0 =	simm.s32 @p1 $0x1  }
0x15: {  	[smem:$0x3FB1] =	sst s0;
	s0 =	simm.s32 @!p2 $0x0  }
0x16: {  	s3 =	sld [smem:$0x3FDB];
	s0 =	simm.s32 @p2 $0x1  }
0x17: {  	s4 =	simm.s32 $0x1BF5;
	[smem:$0x3FB3] =	sst s0  }
0x18: {  	s0 =	sld [smem:$0x3F96];
	_ =	swait.ge [sflag:s4], $0x0  }
0x19: {  	s7 =	sld [smem:$0x3F97]  }
0x1a: {  	s8 =	sadd.s32 $0xFFFFE003, lr  }
0x1b: {  	s9 =	sadd.s32 $0xFFFFFEF7, lr;
	s5 =	simm.s32 $0xFFFFFFFF;
	p2 =	slt.u32 s8, $0xFFFFF086  }
0x1c: {  	p1 =	slt.u32 s9, $0xF7A;
	s5 =	simm.s32 @!p2 $0x0  }
0x1d: {  	s5 =	simm.s32 @p1 $0x1;
	p0 =	seq.s32 s7, s2  }
0x1e: {  	s7 =	smul.u32 @!p0 $0xF7A, s2;
	p2 =	seq.s32 @!p0 s5, $0x0  }
0x1f: {  	s9 =	smul.u32 $0xF7A, s1;
	s8 =	simm.s32 @!p0 $0x1BF5;
	p2 =	por !p2, p0  }
0x20: {  	[sflag:s8] =	ssyncset.s32 @!p0 $0xFFFFF086;
	s6 =	sadd.s32 @!p0 s3, s7;
	s7 =	simm.s32 @!p0 $0x108  }
0x21: {  	s3 =	sadd.s32 s3, s9;
	s6 =	sadd.s32 @!p0 $0x88, s6;
	s7 =	simm.s32 @p2 $0x1082  }
0x22: {  	[simem:s7], [sflag:s8] =	dma.local @!p0 [hbm:s6], $0xF7A  }
0x23: {  	s9 =	sor.u32 $0xD0000000, s2;
	s6 =	simm.s32 $0x108;
	_ =	swait.ge @!p0 [sflag:s8], $0x0  }
0x24: {  	s3 =	sadd.s32 $0x88, s3;
	s6 =	simm.s32 @!p1 $0x1082;
	[sflag:s4] =	ssyncset.s32 $0xFFFFF086  }
0x25: {  	[simem:s6], [sflag:s4] =	dma.local [hbm:s3], $0xF7A  }
0x26: {  	[smem:$0x3F97] =	sst s1;
	(tag) =	ssettag s2;
	_ =	strace s9  }
0x27: {  	s1 =	sld [smem:$0x3FA7]  }
0x28: {  	s2 =	sld [smem:$0x3FA8]  }
0x29: {  	s4 =	sld [smem:$0x3FAA]  }
0x2a: {  	p0 =	seq.s32 s5, $0x0;
	s5 =	sld [smem:$0x3FAB]  }
0x2b: {  	s6 =	sld [smem:$0x3FAC]  }
0x2c: {  	s7 =	sld [smem:$0x3FAD]  }
0x2d: {  	s3 =	simm.s32 $0x108;
	s8 =	sld [smem:$0x3FAE]  }
0x2e: {  	s3 =	simm.s32 @!p0 $0x1082;
	s9 =	sld [smem:$0x3FAF]  }
0x2f: {  	lr =	sadd.s32 s0, s3;
	s0 =	sld [smem:$0x3FA6]  }
0x30: {  	s3 =	sld [smem:$0x3FA9]  }
0x31: {  	[smem:$0x3FB2] =	sst s10  }
0x32: {  	s10 =	sld [smem:$0x3FB0];
	_ =	sdelay $0x3  }
0x33: {  	p0 =	seq.s32 s10, $0x1;
	s10 =	sld [smem:$0x3FB2];
	_ =	sdelay $0x3  }
0x34: {  	[smem:$0x3FB2] =	sst s10  }
0x35: {  	s10 =	sld [smem:$0x3FB1];
	_ =	sdelay $0x3  }
0x36: {  	p1 =	seq.s32 s10, $0x1;
	s10 =	sld [smem:$0x3FB2];
	_ =	sdelay $0x3  }
0x37: {  	[smem:$0x3FB2] =	sst s10  }
0x38: {  	s10 =	sld [smem:$0x3FB3]  }
0x39: {  	_ = 	snop;
	(pc) =	sbr.ind lr, $3  }
0x3a: {  	_ = 	snop  }
0x3b: {  	_ = 	snop  }
0x3c: {  	p2 =	seq.s32 s10, $0x1;
	s10 =	sld [smem:$0x3FB2]  }
0x3d: {  	_ =	shalt  }
0x3e: {  	_ =	shalt  }
0x3f: {  	_ =	shalt  }
0x40: {  	_ =	shalt  }
0x41: {  	_ =	shalt  }
0x42: {  	_ =	shalt  }
0x43: {  	_ =	shalt  }
0x44: {  	_ =	shalt  }
0x45: {  	_ =	shalt  }
0x46: {  	_ =	shalt  }
0x47: {  	_ =	shalt  }
0x48: {  	_ =	shalt  }
0x49: {  	_ =	shalt  }
0x4a: {  	_ =	shalt  }
0x4b: {  	_ =	shalt  }
0x4c: {  	_ =	shalt  }
0x4d: {  	_ =	shalt  }
0x4e: {  	_ =	shalt  }
0x4f: {  	_ =	shalt  }
0x50: {  	_ =	shalt  }
0x51: {  	_ =	shalt  }
0x52: {  	_ =	shalt  }
0x53: {  	_ =	shalt  }
0x54: {  	_ =	shalt  }
0x55: {  	_ =	shalt  }
0x56: {  	_ =	shalt  }
0x57: {  	_ =	shalt  }
0x58: {  	_ =	shalt  }
0x59: {  	_ =	shalt  }
0x5a: {  	_ =	shalt  }
0x5b: {  	_ =	shalt  }
0x5c: {  	_ =	shalt  }
0x5d: {  	_ =	shalt  }
0x5e: {  	_ =	shalt  }
0x5f: {  	_ =	shalt  }
0x60: {  	_ =	shalt  }
0x61: {  	_ =	shalt  }
0x62: {  	_ =	shalt  }
0x63: {  	_ =	shalt  }
0x64: {  	_ =	shalt  }
0x65: {  	_ =	shalt  }
0x66: {  	_ =	shalt  }
0x67: {  	_ =	shalt  }
0x68: {  	_ =	shalt  }
0x69: {  	_ =	shalt  }
0x6a: {  	_ =	shalt  }
0x6b: {  	_ =	shalt  }
0x6c: {  	_ =	shalt  }
0x6d: {  	_ =	shalt  }
0x6e: {  	_ =	shalt  }
0x6f: {  	_ =	shalt  }
0x70: {  	_ =	shalt  }
0x71: {  	_ =	shalt  }
0x72: {  	_ =	shalt  }
0x73: {  	_ =	shalt  }
0x74: {  	_ =	shalt  }
0x75: {  	_ =	shalt  }
0x76: {  	_ =	shalt  }
0x77: {  	_ =	shalt  }
0x78: {  	_ =	shalt  }
0x79: {  	_ =	shalt  }
0x7a: {  	_ =	shalt  }
0x7b: {  	_ =	shalt  }
0x7c: {  	_ =	shalt  }
0x7d: {  	_ =	shalt  }
0x7e: {  	_ =	shalt  }
0x7f: {  	_ =	shalt  }
0x80: {  	_ =	shalt  }
0x81: {  	_ =	shalt  }
0x82: {  	_ =	shalt  }
0x83: {  	_ =	shalt  }
0x84: {  	_ =	shalt  }
0x85: {  	_ =	shalt  }
0x86: {  	_ =	shalt  }
0x87: {  	_ =	shalt  }
.Lfunc_end0:
.L_simem_size_0:
called_computation_lowered:
.L_overlay_start_0:
0x88: {  	s2 =	sld [smem:$0x3FD9]  }
0x89: {  	s3 =	sld [smem:$0x3FFE];
	_ =	sdelay $0x1  }
0x8a: {  	s1 =	srdreg.scid  }
0x8b: {  	s0 =	sand.u32 $0x1, s1  }
0x8c: {  	s17 =	sshll.u32 s0, $0xA;
	s2 =	sadd.s32 s3, s2  }
0x8d: {  	s2 =	sadd.s32 s2, s17  }
0x8e: {  	[smem:$0x3FBE] =	sst s2  }
0x8f: {  	_ = 	snop  }
0x90: {  	s2 =	sld [smem:$0x3FC8]  }
0x91: {  	s18 =	sld [smem:$0x3FD0];
	(tm) =	ssettm $0x1  }
0x92: {  	s4 =	sld [smem:$0x3FFB];
	_ =	sdelay $0x3  }
0x93: {  	_ =	strace s4  }
0x94: {  	s4 =	sld [smem:$0x3FFC];
	_ =	sdelay $0x3  }
0x95: {  	_ =	strace s4  }
0x96: {  	s4 =	sld [smem:$0x3FFD];
	_ =	sdelay $0x3  }
0x97: {  	_ =	strace s4  }
0x98: {  	_ =	strace $0x8FFFFFFF  }
0x99: {  	s19 =	sld [smem:$0x3FDB];
	_ =	sdelay $0x1  }
0x9a: {  	s5 =	simm.s32 $_scs_section_size  }
0x9b: {  	s6 =	simm.s32 $_size__tile_overlayer_lowered;
	s7 =	simm.s32 $_tile_overlayer_lowered  }
0x9c: {  	s22 =	simm.s32 $0x1BFF;
	s21 =	sshll.u32 s7, $0x1;
	s4 =	sadd.s32 s5, s19  }
0x9d: {  	s8 =	simm.s32 $0x0;
	s20 =	sshll.u32 s6, $0x1;
	s6 =	sadd.s32 s21, s4  }
0x9e: {  	[timem:s8], [sflag:s22] =	dma.local [hbm:s6], s20  }
0x9f: {  	_ =	swait.ge [sflag:s22], s20  }
0xa0: {  	s5 =	ssub.s32 $0x0, s20;
	[sflag:s22] =	ssyncset.done $0x0  }
0xa1: {  	[sflag:s22] =	ssyncadd.s32 s5;
	_ =	sdelay $0x1  }
0xa2: {  	s23 =	simm.s32 $0x1B8B  }
0xa3: {  	_ =	swait.ge [sflag:s23], $0x1  }
0xa4: {  	[sflag:s23] =	ssyncset.done $0x0  }
0xa5: {  	s25 =	simm.s32 $0x1B8E;
	s24 =	sld [smem:$0x3FFE];
	[sflag:s23] =	ssyncadd.s32 $0xFFFFFFFF  }
0xa6: {  	s26 =	simm.s32 $execute0_lowered;
	[smem:$0x3FD2] =	sst s25  }
0xa7: {  	s6 =	sshll.u32 s26, $0x1;
	_ =	strace $0x80000046;
	[dreg:$0x1] =	wrdreg $0xFFFFFFFF  }
0xa8: {  	s28 =	simm.s32 $_size_execute0_lowered;
	s4 =	sadd.s32 s4, s6;
	[dreg:$0x0] =	wrdreg $0x0  }
0xa9: {  	s6 =	sshll.u32 s28, $0x1;
	[dreg:$0x2] =	wrdreg s4  }
0xaa: {  	[dreg:$0x3] =	wrdreg s6  }
0xab: {  	[dreg:$0x4] =	wrdreg $0xC0  }
0xac: {  	_ =	task [dreg:s8], $0x5FFFF  }
0xad: {  	[dreg:$0x1] =	wrdreg $0xFFFFFFFF  }
0xae: {  	[dreg:$0x0] =	wrdreg $0x60  }
0xaf: {  	[dreg:$0x2] =	wrdreg s18  }
0xb0: {  	[dreg:$0x3] =	wrdreg s2  }
0xb1: {  	[dreg:$0x4] =	wrdreg s24  }
0xb2: {  	[dreg:$0x5] =	wrdreg $0x99700  }
0xb3: {  	[dreg:$0x6] =	wrdreg $0x1D1F00  }
0xb4: {  	[dreg:$0x7] =	wrdreg $0x9  }
0xb5: {  	_ =	task.clear_ibuf [dreg:s8], $0x8FFFF;
	_ =	strace $0x90000046  }
0xb6: {  	s29 =	simm.s32 $0x9;
	_ =	strace $0x80000048  }
0xb7: {  	_ =	swait.ge [sflag:s29], $0x1  }
0xb8: {  	[sflag:s29] =	ssyncadd.s32 $0xFFFFFFFF  }
0xb9: {  	_ =	strace $0x90000048  }
0xba: {  	_ =	sfence  }
0xbb: {  	s30 =	sld [smem:$0x0];
	_ =	sdelay $0x2  }
0xbc: {  	s31 =	sshll.u32 s1, $0xD;
	s1 =	sshrl.u32 s1, $0x2  }
0xbd: {  	s3 =	sand.u32 $0x4000, s31;
	s1 =	sadd.s32 s1, s30  }
0xbe: {  	s0 =	sor.u32 s3, s0;
	s1 =	sshll.u32 s1, $0x11  }
0xbf: {  	s0 =	sor.u32 s1, s0  }
0xc0: {  	s0 =	sadd.s32 $0x8F2B, s0  }
0xc1: {  	[sflag:s0] =	ssyncadd.remote.s32 $0x1  }
0xc2: {  	_ =	sfence.sel $0xFFFF  }
0xc3: {  	[dreg:$0x0] =	wrdreg $0xFFFFFFFF;
	(pc) =	sbr.abs _section_cstart, $3  }
0xc4: {  	[dreg:$0x1] =	wrdreg $0xFFFFFFFF  }
0xc5: {  	_ =	task.clear_ibuf [dreg:s8], $0x2FFFF;
	_ =	strace $0x9FFFFFFF  }
0xc6: {  	(tm) =	ssettm $0x7FFFFFFF  }
0xc7: {  	_ =	shalt  }
tec
execute0_lowered:
.L_overlay_start_1:
0x0: {  	(tag) =	ssettag $0x1  }
0x1: {  	s1 =	rddreg [dreg:$0x0]  }
0x2: {  	s2 =	rddreg [dreg:$0x1]  }
0x3: {  	s5 =	rddreg [dreg:$0x2]  }
0x4: {  	s3 =	rddreg [dreg:$0x3]  }
0x5: {  	s4 =	rddreg [dreg:$0x4];
	s0 =	srdreg.scid  }
0x6: {  	s6 =	simm.s32 $0x0;
	s17 =	stileid.u32;
	s28 =	simm.s32 $0x50  }
0x7: {  	s29 =	simm.s32 $0x4E200;
	s31 =	simm.s32 $0x4;
	s0 =	sand.u32 $0x1, s0  }
0x8: {  	[smem:$0x7FF] =	sst s6;
	s8 =	smul.u32 $0x14000, s17;
	s12 =	sadd.s32 $0x1F200, s5  }
0x9: {  	s14 =	sshll.u32 s17, $0x1;
	s10 =	smul.u32 $0x2800, s17;
	s15 =	sadd.s32 $0x15400, s5  }
0xa: {  	p0 =	seq.s32 s17, $0xF;
	s11 =	smul.u32 $0x138800, s0;
	s7 =	ssub.s32 $0x2, s0  }
0xb: {  	s13 =	smul.u32 $0x27100, s0;
	s0 =	sor.u32 s0, s14;
	s9 =	sshrl.u32 s7, $0x1  }
0xc: {  	s9 =	ssub.s32 s7, s9;
	s7 =	smul.u32 $0x2710, s0;
	s30 =	sadd.s32 s8, s11  }
0xd: {  	s16 =	sadd.s32 s10, s13;
	s0 =	smul.u32 $0x280, s17;
	s11 =	sshrl.u32 s11, $0x3  }
0xe: {  	s19 =	sshrl.u32 s13, $0x3;
	s14 =	sshrl.u32 s30, $0x3;
	s16 =	sshrl.u32 s16, $0x3  }
0xf: {  	s11 =	sadd.s32 s12, s11;
	s9 =	smax.u32 s9, $0x1;
	s14 =	sadd.s32 s12, s14  }
0x10: {  	s18 =	sadd.s32 s15, s16;
	s20 =	sadd.s32 $0x140, s0;
	s12 =	sadd.s32 s15, s19  }
0x11: {  	s22 =	sadd.s32 $0x190, s0;
	s24 =	sadd.s32 $0x1E0, s0;
	[dreg:$0x6] =	wrdreg s14  }
0x12: {  	s30 =	sadd.s32 $0x230, s0;
	s15 =	sadd.s32 $0x25D00, s4;
	[dreg:$0x7] =	wrdreg s18  }
0x13: {  	s21 =	sshll.u32 s20, $0x7;
	s13 =	sshll.u32 s20, $0x4;
	s23 =	sshll.u32 s22, $0x7  }
0x14: {  	s25 =	sshll.u32 s22, $0x4;
	s26 =	sshll.u32 s24, $0x7;
	s14 =	sadd.s32 $0x12E800, s3  }
0x15: {  	s16 =	sadd.s32 s21, s3;
	s18 =	sadd.s32 s13, s4;
	s19 =	sadd.s32 s23, s3  }
0x16: {  	s13 =	sshll.u32 s24, $0x4;
	s20 =	sadd.s32 s25, s4;
	s21 =	sadd.s32 s26, s3  }
0x17: {  	s22 =	sadd.s32 s13, s4;
	s16 =	smov.u32 @p0 s14;
	s14 =	sadd.s32 $0x131000, s3  }
0x18: {  	s18 =	smov.u32 @p0 s15;
	s15 =	sadd.s32 $0x26200, s4;
	[dreg:$0x8] =	wrdreg s16  }
0x19: {  	s13 =	sshll.u32 s30, $0x4;
	[dreg:$0x9] =	wrdreg s18;
	s19 =	smov.u32 @p0 s14  }
0x1a: {  	s20 =	smov.u32 @p0 s15;
	s15 =	sadd.s32 $0x133800, s3;
	[dreg:$0xa] =	wrdreg s19  }
0x1b: {  	s14 =	sadd.s32 $0x26700, s4;
	s19 =	sshll.u32 s30, $0x7;
	[dreg:$0xb] =	wrdreg s20  }
0x1c: {  	s21 =	smov.u32 @p0 s15;
	s22 =	smov.u32 @p0 s14;
	s14 =	sadd.s32 $0x136000, s3  }
0x1d: {  	s15 =	sadd.s32 s13, s4;
	s16 =	sadd.s32 s19, s3;
	[dreg:$0xc] =	wrdreg s21  }
0x1e: {  	s13 =	sadd.s32 $0x26C00, s4;
	[dreg:$0xd] =	wrdreg s22;
	s16 =	smov.u32 @p0 s14  }
0x1f: {  	s15 =	smov.u32 @p0 s13;
	s22 =	sshrl.u32 s7, $0x3;
	[dreg:$0xe] =	wrdreg s16  }
0x20: {  	s23 =	sadd.s32 s1, s22;
	_ =	strace $0x80000047;
	[dreg:$0xf] =	wrdreg s15  }
0x21: {  	s24 =	sadd.s32 $0xA, s22;
	s25 =	sadd.s32 s2, s22;
	[dreg:$0x10] =	wrdreg s23  }
0x22: {  	s18 =	sadd.s32 $0x1A00, s5;
	s26 =	sadd.s32 s1, s24;
	[dreg:$0x11] =	wrdreg s25  }
0x23: {  	s13 =	sadd.s32 $0x14, s22;
	s5 =	sadd.s32 s2, s24;
	[dreg:$0x12] =	wrdreg s26  }
0x24: {  	s11 =	sadd.s32 $0x25800, s11;
	s30 =	sadd.s32 s1, s13;
	[dreg:$0x13] =	wrdreg s5  }
0x25: {  	s19 =	sor.u32 $0x50, s0;
	s13 =	sadd.s32 s2, s13;
	[dreg:$0x14] =	wrdreg s30  }
0x26: {  	s14 =	smul.u32 $0x50000, s17;
	s21 =	sshll.u32 s19, $0x7;
	[dreg:$0x15] =	wrdreg s13  }
0x27: {  	s16 =	smul.u32 $0xA000, s17;
	s22 =	sadd.s32 s21, s3;
	[dreg:$0x16] =	wrdreg s11  }
0x28: {  	s5 =	sadd.s32 s8, s3;
	s8 =	sadd.s32 s10, s4;
	[dreg:$0x18] =	wrdreg s9  }
0x29: {  	s15 =	sadd.s32 $0x4B00, s12;
	s17 =	sshrl.u32 s14, $0x2;
	[dreg:$0x1b] =	wrdreg s22  }
0x2a: {  	s23 =	sadd.s32 $0xA0, s0;
	s10 =	sshll.u32 s19, $0x4;
	s0 =	sadd.s32 $0xF0, s0  }
0x2b: {  	s12 =	sadd.s32 $0x25800, s4;
	[dreg:$0x17] =	wrdreg s15;
	s9 =	sadd.s32 s17, s3  }
0x2c: {  	s20 =	sshrl.u32 s16, $0x2;
	s24 =	sshll.u32 s23, $0x7;
	[smem:$0x7FB] =	sst s12  }
0x2d: {  	s10 =	sadd.s32 s10, s4;
	s26 =	sshll.u32 s0, $0x7;
	[dreg:$0x19] =	wrdreg s9  }
0x2e: {  	s30 =	sshll.u32 s23, $0x4;
	s9 =	sadd.s32 s20, s4;
	[dreg:$0x1c] =	wrdreg s10  }
0x2f: {  	s0 =	sshll.u32 s0, $0x4;
	s25 =	sadd.s32 s24, s3;
	[dreg:$0x1a] =	wrdreg s9  }
0x30: {  	s0 =	sadd.s32 s0, s4;
	s11 =	sadd.s32 s30, s4;
	[dreg:$0x1d] =	wrdreg s25  }
0x31: {  	s10 =	sadd.s32 $0x12C000, s3;
	s9 =	sadd.s32 s26, s3;
	[smem:$0x7F9] =	sst s11  }
.Ltmp0:
0x32: {  	[smem:$0x7FA] =	sst s10;
	s0 =	smov.u32 @p0 s12;
	(pc) =	sbr.rel .LBB2_1-.Ltmp0, $4  }
0x33: {  	s25 =	simm.s32 $0xB;
	s9 =	smov.u32 @p0 s10;
	[dreg:$0x1f] =	wrdreg s0  }
0x34: {  	s26 =	simm.s32 $0x9470;
	s0 =	sshrl.u32 @!p0 s5, $0x3;
	[dreg:$0x1e] =	wrdreg s9  }
0x35: {  	s11 =	simm.s32 $0x8F70;
	[smem:$0x7FC] =	sst s0;
	s0 =	sshrl.u32 @!p0 s8, $0x3  }
0x36: {  	v0 =	vimm.f32 $0.0e+00;
	v1 =	vimm.f32 $1.000000000e+00;
	s10 =	simm.s32 $0x280;
	s5 =	simm.s32 $0x0;
	[smem:$0x7FD] =	sst s0  }
.LBB2_9:
0x37: {  	s0 =	simm.s32 $0x6  }
0x38: {  	_ =	swait.ge [sflag:s0], $0x2800  }
0x39: {  	[sflag:s0] =	ssyncset.done $0x0  }
0x3a: {  	s24 =	simm.s32 $0x9;
	[sflag:s0] =	ssyncadd.s32 $0xFFFFD800  }
0x3b: {  	_ =	swait.ge [sflag:s24], $0x500  }
0x3c: {  	[sflag:s24] =	ssyncset.done $0x0  }
0x3d: {  	[sflag:s24] =	ssyncadd.s32 $0xFFFFFB00  }
0x3e: {  	[bflag:$0x0] =	sbarrier.arrive $0xFFFF  }
0x3f: {  	s0 =	sld [smem:$0x7FA];
	_ =	sdelay $0x2  }
0x40: {  	s8 =	simm.s32 @p0 $0x1FCB;
	s9 =	rddreg [dreg:$0x16];
	s0 =	sshrl.u32 @p0 s0, $0x3  }
0x41: {  	[hbm:s9], [sflag:s8] =	dma.local @p0 [spmem:s0], $0x1900  }
0x42: {  	s0 =	simm.s32 @p0 $0xB  }
0x43: {  	_ =	swait.ge @p0 [sflag:s0], $0x1900  }
0x44: {  	s9 =	sld [smem:$0x7FB];
	_ =	sdelay $0x1  }
0x45: {  	[sflag:s0] =	ssyncset.done @p0 $0x0  }
0x46: {  	s12 =	rddreg [dreg:$0x17];
	[sflag:s0] =	ssyncadd.s32 @p0 $0xFFFFE700;
	s9 =	sshrl.u32 @p0 s9, $0x3  }
0x47: {  	[hbm:s12], [sflag:s8] =	dma.local @p0 [spmem:s9], $0x320  }
0x48: {  	_ =	swait.ge @p0 [sflag:s0], $0x320  }
0x49: {  	s8 =	stileid.u32;
	s9 =	sld [smem:$0x7FC]  }
0x4a: {  	s8 =	sshll.u32 @!p0 s8, $0x6;
	[sflag:s0] =	ssyncset.done @p0 $0x0  }
0x4b: {  	[sflag:s0] =	ssyncadd.s32 @p0 $0xFFFFFCE0;
	s0 =	sor.u32 @!p0 $0x1C0B, s8;
	s8 =	rddreg [dreg:$0x6]  }
0x4c: {  	[hbm:s8], [sflag:s0] =	dma.local @!p0 [spmem:s9], $0x2800  }
0x4d: {  	s8 =	simm.s32 @!p0 $0xB  }
0x4e: {  	_ =	swait.ge @!p0 [sflag:s8], $0x2800  }
0x4f: {  	s12 =	sld [smem:$0x7FD]  }
0x50: {  	[sflag:s8] =	ssyncset.done @!p0 $0x0  }
0x51: {  	s9 =	rddreg [dreg:$0x7];
	[sflag:s8] =	ssyncadd.s32 @!p0 $0xFFFFD800  }
0x52: {  	[hbm:s9], [sflag:s0] =	dma.local @!p0 [spmem:s12], $0x500  }
0x53: {  	_ =	swait.ge @!p0 [sflag:s8], $0x500  }
0x54: {  	s5 =	sadd.s32 $0x1, s5;
	s30 =	rddreg [dreg:$0x18]  }
0x55: {  	p1 =	sne.s32 s5, s30  }
.Ltmp1:
0x56: {  	_ = 	snop;
	(pc) =	sbr.rel @!p1 .LBB2_10-.Ltmp1, $3  }
0x57: {  	_ =	sdelay $0x1  }
0x58: {  	[sflag:s8] =	ssyncset.done @!p0 $0x0  }
0x59: {  	[sflag:s8] =	ssyncadd.s32 @!p0 $0xFFFFFB00  }
.LBB2_1:
0x5a: {  	s8 =	simm.s32 $0x3FB0  }
0x5b: {  	[tilespmem:s8+$0x20] =	vst v0  }
0x5c: {  	[tilespmem:s8+$0x10] =	vst v0  }
0x5d: {  	[tilespmem:s8+$0x0] =	vst v0  }
0x5e: {  	[tilespmem:s8+$0xFFFFFFF0] =	vst v0  }
0x5f: {  	[tilespmem:s8+$0xFFFFFFE0] =	vst v0  }
0x60: {  	[tilespmem:s8+$0xFFFFFFD0] =	vst v0  }
0x61: {  	[tilespmem:s8+$0xFFFFFFC0] =	vst v0  }
0x62: {  	s14 =	simm.s32 $0x0;
	s13 =	simm.s32 $0x40;
	[tilespmem:s8+$0x30] =	vst v0  }
.LBB2_2:
0x63: {  	p1 =	sne.s32 s13, $0x13C0;
	[tilespmem:s14+$0x9470] =	vst v0  }
0x64: {  	s8 =	sadd.s32 $0x80, s8;
	[tilespmem:s14+$0x8F70] =	vst v1  }
0x65: {  	[tilespmem:s8+$0x20] =	vst v0  }
0x66: {  	[tilespmem:s8+$0x10] =	vst v0  }
0x67: {  	[tilespmem:s8+$0x0] =	vst v0  }
.Ltmp2:
0x68: {  	[tilespmem:s8+$0xFFFFFFF0] =	vst v0;
	(pc) =	sbr.rel @p1 .LBB2_2-.Ltmp2, $4  }
0x69: {  	[tilespmem:s8+$0xFFFFFFE0] =	vst v0  }
0x6a: {  	[tilespmem:s8+$0xFFFFFFD0] =	vst v0  }
0x6b: {  	[tilespmem:s8+$0xFFFFFFC0] =	vst v0  }
0x6c: {  	s14 =	sshra.s32 s13, $0x2;
	s13 =	sadd.s32 $0x40, s13;
	[tilespmem:s8+$0x30] =	vst v0  }
0x6d: {  	[tilespmem:s14+$0x9470] =	vst v0  }
0x6e: {  	[tilespmem:s14+$0x8F70] =	vst v1;
	s8 =	simm.s32 @!p0 $0x3F70;
	s0 =	rddreg [dreg:$0x19];
	s13 =	simm.s32 @!p0 $0xB  }
0x6f: {  	[spmem:s0] =	stream.linear.scatter @!p0 [tilespmem:s8], [sflag:$0xB], $0x2800, $0x38;
	[tilespmem:$0x1F900] =	vst v63  }
0x70: {  	_ =	swait.ge @!p0 [sflag:s13], $0x2800  }
0x71: {  	[sflag:s13] =	ssyncset.done @!p0 $0x0  }
0x72: {  	s14 =	simm.s32 @!p0 $0x9470;
	s0 =	rddreg [dreg:$0x1a];
	[sflag:s13] =	ssyncadd.s32 @!p0 $0xFFFFD800  }
0x73: {  	[spmem:s0] =	stream.linear.scatter @!p0 [tilespmem:s14], [sflag:$0xB], $0x500, $0x38;
	[tilespmem:$0x1F900] =	vst v63  }
0x74: {  	_ =	swait.ge @!p0 [sflag:s13], $0x500  }
0x75: {  	[sflag:s13] =	ssyncset.done @!p0 $0x0  }
0x76: {  	s0 =	rddreg [dreg:$0x1b];
	[sflag:s13] =	ssyncadd.s32 @!p0 $0xFFFFFB00  }
0x77: {  	[spmem:s0] =	stream.linear.scatter @!p0 [tilespmem:s8], [sflag:$0xB], $0x2800, $0x38;
	[tilespmem:$0x1F900] =	vst v63  }
0x78: {  	_ =	swait.ge @!p0 [sflag:s13], $0x2800  }
0x79: {  	[sflag:s13] =	ssyncset.done @!p0 $0x0  }
0x7a: {  	s0 =	rddreg [dreg:$0x1c];
	[sflag:s13] =	ssyncadd.s32 @!p0 $0xFFFFD800  }
0x7b: {  	[spmem:s0] =	stream.linear.scatter @!p0 [tilespmem:s14], [sflag:$0xB], $0x500, $0x38;
	[tilespmem:$0x1F900] =	vst v63  }
0x7c: {  	_ =	swait.ge @!p0 [sflag:s13], $0x500  }
0x7d: {  	[sflag:s13] =	ssyncset.done @!p0 $0x0  }
0x7e: {  	s0 =	rddreg [dreg:$0x1d];
	[sflag:s13] =	ssyncadd.s32 @!p0 $0xFFFFFB00  }
0x7f: {  	[spmem:s0] =	stream.linear.scatter @!p0 [tilespmem:s8], [sflag:$0xB], $0x2800, $0x38;
	[tilespmem:$0x1F900] =	vst v63  }
0x80: {  	_ =	swait.ge @!p0 [sflag:s13], $0x2800  }
0x81: {  	s0 =	sld [smem:$0x7F9]  }
0x82: {  	[sflag:s13] =	ssyncset.done @!p0 $0x0  }
0x83: {  	[sflag:s13] =	ssyncadd.s32 @!p0 $0xFFFFD800  }
0x84: {  	[spmem:s0] =	stream.linear.scatter @!p0 [tilespmem:s14], [sflag:$0xB], $0x500, $0x38;
	[tilespmem:$0x1F900] =	vst v63  }
0x85: {  	_ =	swait.ge @!p0 [sflag:s13], $0x500  }
0x86: {  	[sflag:s13] =	ssyncset.done @!p0 $0x0  }
0x87: {  	s20 =	simm.s32 $0x3F70;
	s19 =	rddreg [dreg:$0x1e];
	[sflag:s13] =	ssyncadd.s32 @!p0 $0xFFFFFB00  }
0x88: {  	[spmem:s19] =	stream.linear.scatter [tilespmem:s20], [sflag:$0xB], $0x2800, $0x38;
	[tilespmem:$0x1F900] =	vst v63  }
0x89: {  	_ =	swait.ge [sflag:s25], $0x2800  }
0x8a: {  	[sflag:s25] =	ssyncset.done $0x0  }
0x8b: {  	s21 =	rddreg [dreg:$0x1f];
	[sflag:s25] =	ssyncadd.s32 $0xFFFFD800  }
0x8c: {  	[spmem:s21] =	stream.linear.scatter [tilespmem:s26], [sflag:$0xB], $0x500, $0x38;
	[tilespmem:$0x1F900] =	vst v63  }
0x8d: {  	_ =	swait.ge [sflag:s25], $0x500  }
0x8e: {  	[sflag:s25] =	ssyncset.done $0x0  }
0x8f: {  	s22 =	rddreg [dreg:$0x8];
	[sflag:s25] =	ssyncadd.s32 $0xFFFFFB00  }
0x90: {  	[spmem:s22] =	stream.linear.scatter [tilespmem:s20], [sflag:$0xB], $0x2800, $0x38;
	[tilespmem:$0x1F900] =	vst v63  }
0x91: {  	_ =	swait.ge [sflag:s25], $0x2800  }
0x92: {  	[sflag:s25] =	ssyncset.done $0x0  }
0x93: {  	s23 =	rddreg [dreg:$0x9];
	[sflag:s25] =	ssyncadd.s32 $0xFFFFD800  }
0x94: {  	[spmem:s23] =	stream.linear.scatter [tilespmem:s26], [sflag:$0xB], $0x500, $0x38;
	[tilespmem:$0x1F900] =	vst v63  }
0x95: {  	_ =	swait.ge [sflag:s25], $0x500  }
0x96: {  	[sflag:s25] =	ssyncset.done $0x0  }
0x97: {  	s24 =	rddreg [dreg:$0xa];
	[sflag:s25] =	ssyncadd.s32 $0xFFFFFB00  }
0x98: {  	[spmem:s24] =	stream.linear.scatter [tilespmem:s20], [sflag:$0xB], $0x2800, $0x38;
	[tilespmem:$0x1F900] =	vst v63  }
0x99: {  	_ =	swait.ge [sflag:s25], $0x2800  }
0x9a: {  	[sflag:s25] =	ssyncset.done $0x0  }
0x9b: {  	s30 =	rddreg [dreg:$0xb];
	[sflag:s25] =	ssyncadd.s32 $0xFFFFD800  }
0x9c: {  	[spmem:s30] =	stream.linear.scatter [tilespmem:s26], [sflag:$0xB], $0x500, $0x38;
	[tilespmem:$0x1F900] =	vst v63  }
0x9d: {  	_ =	swait.ge [sflag:s25], $0x500  }
0x9e: {  	[sflag:s25] =	ssyncset.done $0x0  }
0x9f: {  	s9 =	rddreg [dreg:$0xc];
	[sflag:s25] =	ssyncadd.s32 $0xFFFFFB00  }
0xa0: {  	[spmem:s9] =	stream.linear.scatter [tilespmem:s20], [sflag:$0xB], $0x2800, $0x38;
	[tilespmem:$0x1F900] =	vst v63  }
0xa1: {  	_ =	swait.ge [sflag:s25], $0x2800  }
0xa2: {  	[sflag:s25] =	ssyncset.done $0x0  }
0xa3: {  	s12 =	rddreg [dreg:$0xd];
	[sflag:s25] =	ssyncadd.s32 $0xFFFFD800  }
0xa4: {  	[spmem:s12] =	stream.linear.scatter [tilespmem:s26], [sflag:$0xB], $0x500, $0x38;
	[tilespmem:$0x1F900] =	vst v63  }
0xa5: {  	_ =	swait.ge [sflag:s25], $0x500  }
0xa6: {  	[sflag:s25] =	ssyncset.done $0x0  }
0xa7: {  	s13 =	rddreg [dreg:$0xe];
	[sflag:s25] =	ssyncadd.s32 $0xFFFFFB00  }
0xa8: {  	[spmem:s13] =	stream.linear.scatter [tilespmem:s20], [sflag:$0xB], $0x2800, $0x38;
	[tilespmem:$0x1F900] =	vst v63  }
0xa9: {  	_ =	swait.ge [sflag:s25], $0x2800  }
0xaa: {  	[sflag:s25] =	ssyncset.done $0x0  }
0xab: {  	s14 =	rddreg [dreg:$0xf];
	[sflag:s25] =	ssyncadd.s32 $0xFFFFD800  }
0xac: {  	[spmem:s14] =	stream.linear.scatter [tilespmem:s26], [sflag:$0xB], $0x500, $0x38;
	[tilespmem:$0x1F900] =	vst v63  }
0xad: {  	_ =	swait.ge [sflag:s25], $0x500  }
0xae: {  	[sflag:s25] =	ssyncset.done $0x0  }
0xaf: {  	[sflag:s25] =	ssyncadd.s32 $0xFFFFFB00  }
0xb0: {  	[bflag:$0x0] =	sbarrier.arrive $0xFFFF  }
0xb1: {  	s13 =	simm.s32 $0x0;
	s15 =	rddreg [dreg:$0x10]  }
0xb2: {  	[tilespmem:s13], [sflag:$0xB] =	stream.strided.gather [hbm4b:s15+s28], $0xA0, s29, s28, $0x38;
	[tilespmem:$0x1F900] =	vst v63  }
0xb3: {  	_ =	swait.ge [sflag:s25], $0xA0  }
0xb4: {  	[sflag:s25] =	ssyncset.done $0x0  }
0xb5: {  	s16 =	rddreg [dreg:$0x11];
	[sflag:s25] =	ssyncadd.s32 $0xFFFFFF60  }
0xb6: {  	[tilespmem:s10], [sflag:$0xB] =	stream.linear.gather [hbm4b:s16+s13], $0x50, $0x38;
	[tilespmem:$0x1F900] =	vst v63  }
0xb7: {  	_ =	swait.ge [sflag:s25], $0x50  }
0xb8: {  	[sflag:s25] =	ssyncset.done $0x0  }
0xb9: {  	s14 =	simm.s32 $0x370;
	[sflag:s25] =	ssyncadd.s32 $0xFFFFFFB0  }
0xba: {  	[tilespmem:s14], [sflag:$0x1] =	stream.indirect.gather [hbm4b:s18+s28], $0x40, s13, s28, $0xb8;
	[tilespmem:$0x1F900] =	vst v63  }
0xbb: {  	s19 =	simm.s32 $0xA0;
	s17 =	rddreg [dreg:$0x12]  }
0xbc: {  	[tilespmem:s19], [sflag:$0x4] =	stream.strided.gather [hbm4b:s17+s28], $0xA0, s29, s28, $0x38;
	[tilespmem:$0x1F900] =	vst v63  }
0xbd: {  	s9 =	simm.s32 $0x2D0;
	s20 =	rddreg [dreg:$0x13]  }
0xbe: {  	[tilespmem:s9], [sflag:$0x4] =	stream.linear.gather [hbm4b:s20+s13], $0x50, $0x38;
	[tilespmem:$0x1F900] =	vst v63  }
0xbf: {  	_ =	swait.ge [sflag:s31], $0xA0  }
0xc0: {  	[sflag:s31] =	ssyncset.done $0x0  }
0xc1: {  	[sflag:s31] =	ssyncadd.s32 $0xFFFFFF60  }
0xc2: {  	_ =	swait.ge [sflag:s31], $0x50  }
0xc3: {  	[sflag:s31] =	ssyncset.done $0x0  }
0xc4: {  	s21 =	simm.s32 $0x1770;
	[sflag:s31] =	ssyncadd.s32 $0xFFFFFFB0  }
0xc5: {  	[tilespmem:s21], [sflag:$0x2] =	stream.indirect.gather [hbm4b:s18+s28], $0x40, s19, s28, $0xb8;
	[tilespmem:$0x1F900] =	vst v63  }
.Ltmp3:
0xc6: {  	_ = 	snop;
	(pc) =	sbr.rel .LBB2_4-.Ltmp3, $4  }
0xc7: {  	p1 =	por $0x0, $0x0;
	s23 =	simm.s32 $0x140;
	s22 =	rddreg [dreg:$0x14]  }
0xc8: {  	[tilespmem:s23], [sflag:$0x3] =	stream.strided.gather [hbm4b:s22+s28], $0xA0, s29, s28, $0x38;
	[tilespmem:$0x1F900] =	vst v63  }
0xc9: {  	s30 =	simm.s32 $0x320;
	s15 =	simm.s32 $0x0;
	s24 =	rddreg [dreg:$0x15]  }
0xca: {  	[tilespmem:s30], [sflag:$0x3] =	stream.linear.gather [hbm4b:s24+s13], $0x50, $0x38;
	[tilespmem:$0x1F900] =	vst v63  }
.LBB2_8:
0xcb: {  	s0 =	sand.u32 $0x3, s15  }
0xcc: {  	s15 =	sadd.s32 $0x1, s15;
	s0 =	smul.u32 $0x280, s0  }
0xcd: {  	p2 =	sne.s32 s15, $0x7D  }
.Ltmp4:
0xce: {  	s0 =	sshrl.u32 s0, $0x2;
	(pc) =	sbr.rel @!p2 .LBB2_9-.Ltmp4, $4  }
0xcf: {  	s8 =	sadd.s32 $0x5, s30;
	s30 =	sadd.s32 $0x8, s30;
	s0 =	sadd.s32 $0x50, s0  }
0xd0: {  	[spmem:s3] =	stream.indirect.scatter.add.f32 [tilespmem:s20], [sflag:s8], $0x80, s0, s28, $0xb8;
	[tilespmem:$0x1F900] =	vst v63  }
0xd1: {  	s13 =	sadd.s32 $0x50, s13;
	s14 =	sadd.s32 $0x1400, s14;
	p1 =	por !p1, !p1  }
0xd2: {  	[spmem:s4] =	stream.indirect.scatter.add.f32 [tilespmem:s11], [sflag:s30], $0x10, s0, s28, $0xb8;
	[tilespmem:$0x1F900] =	vst v63  }
.LBB2_4:
0xd3: {  	p2 =	sgt.u32 s15, $0x7A  }
0xd4: {  	s8 =	sadd.s32 @!p2 $0x2, s15  }
0xd5: {  	s16 =	smul.u32 @!p2 $0xAB, s8  }
0xd6: {  	s17 =	smulhi.u32 $0xAAAAAAAB, s15;
	s20 =	sand.u32 $0x1, s15  }
0xd7: {  	s23 =	smul.u32 $0xAB, s15;
	s19 =	sadd.s32 @!p2 $0x3, s20;
	s16 =	sshrl.u32 @!p2 s16, $0x9  }
0xd8: {  	s30 =	simm.s32 @!p2 $0x50;
	_ =	swait.ge @!p2 [sflag:s19], $0xA0;
	s16 =	sand.u32 @!p2 $0x7F, s16  }
0xd9: {  	s17 =	sshrl.u32 s17, $0x1;
	[sflag:s19] =	ssyncset.done @!p2 $0x0;
	s16 =	smul.u32 @!p2 $0x3, s16  }
0xda: {  	s12 =	sshrl.u32 s23, $0x9;
	s21 =	smul.u32 $0xF0, s17;
	[sflag:s19] =	ssyncadd.s32 @!p2 $0xFFFFFF60  }
0xdb: {  	s17 =	smul.u32 $0xFFFF1000, s17;
	_ =	swait.ge @!p2 [sflag:s19], $0x50;
	s16 =	ssub.s32 @!p2 s8, s16  }
0xdc: {  	s21 =	ssub.s32 s13, s21;
	[sflag:s19] =	ssyncset.done @!p2 $0x0;
	s16 =	sand.u32 @!p2 $0xFF, s16  }
0xdd: {  	s23 =	sadd.s32 $0xFFFFFFFC, s21;
	s8 =	sand.u32 @!p2 $0x3, s8;
	s22 =	smul.u32 @!p2 $0x5000, s16  }
0xde: {  	[sflag:s19] =	ssyncadd.s32 @!p2 $0xFFFFFFB0;
	s9 =	sadd.s32 $0x6, s23;
	s8 =	smul.u32 @!p2 $0x280, s8  }
0xdf: {  	s16 =	sadd.s32 @!p2 $0x1, s16;
	s19 =	sshrl.u32 @!p2 s22, $0x2;
	s22 =	sand.u32 $0x7F, s12  }
0xe0: {  	s8 =	sshrl.u32 @!p2 s8, $0x2;
	s19 =	sor.u32 @!p2 $0x370, s19;
	s22 =	smul.u32 $0x3, s22  }
0xe1: {  	v2 =	vmov s9;
	[tilespmem:s19], [sflag:s16] =	stream.indirect.gather @!p2 [hbm4b:s18+s30], $0x40, s8, s30, $0xb8;
	[tilespmem:$0x1F900] =	vst v63  }
0xe2: {  	s24 =	sshra.s32 s17, $0x2;
	v3 =	vand.u32 $0xFFFFFFFE, v2;
	s22 =	ssub.s32 s15, s22  }
0xe3: {  	v2 =	vmov s24;
	v3 =	vbroadcast v3, $0x0;
	s30 =	sand.u32 $0xFF, s22  }
0xe4: {  	s8 =	sadd.s32 $0x1, s30  }
0xe5: {  	_ =	swait.ge [sflag:s8], $0x1400  }
0xe6: {  	s0 =	sadd.s32 $0x4, s23;
	[sflag:s8] =	ssyncset.done $0x0  }
0xe7: {  	v4 =	vmov s0;
	[sflag:s8] =	ssyncadd.s32 $0xFFFFEC00  }
0xe8: {  	v4 =	vand.u32 $0xFFFFFFFC, v4;
	s12 =	sadd.s32 $0x5, s23;
	v5 =	vld.idx.msk [tilespmem:v2+s14+$0x80 ss:$0x1], $0xffff  }
0xe9: {  	v4 =	vbroadcast v4, $0x0;
	v6 =	vmov s12;
	v7 =	vld.idx.msk [tilespmem:v3+s10+$0x0], $0xffff  }
0xea: {  	s8 =	simm.s32 $0x1;
	v3 =	vand.u32 $0xFFFFFFFD, v6  }
0xeb: {  	s8 =	simm.s32 @!p1 $0x0;
	v3 =	vbroadcast v3, $0x0  }
0xec: {  	s8 =	smul.u32 $0xA000, s8  }
0xed: {  	v6 =	vunpack.i.l.bf16.f32 v5  }
0xee: {  	v8 =	vld.idx.msk [tilespmem:v2+s14+$0x0 ss:$0x1], $0xffff;
	s8 =	sshrl.u32 s8, $0x2;
	v9 =	vunpack.i.u.bf16.f32 v5;
	v6 =	vmul.f32 v6, v7  }
0xef: {  	s22 =	sor.u32 $0x4070, s8;
	v5 =	vld.idx.msk [tilespmem:v4+s10+$0x0], $0xffff;
	v4 =	vmul.f32 v9, v7  }
0xf0: {  	v9 =	vld.idx.msk [tilespmem:v2+s14+$0x40 ss:$0x1], $0xffff;
	[tilespmem:s22+$0x0] =	vst v6  }
0xf1: {  	s16 =	sadd.s32 $0x7, s23;
	v6 =	vld.idx.msk [tilespmem:v3+s10+$0x0], $0xffff;
	[tilespmem:s22+$0x10] =	vst v4  }
0xf2: {  	v3 =	vmov s16;
	v4 =	vld.idx.msk [tilespmem:v2+s14+$0x90 ss:$0x1], $0xffff  }
0xf3: {  	v10 =	vunpack.i.l.bf16.f32 v8  }
0xf4: {  	v8 =	vunpack.i.u.bf16.f32 v8;
	v10 =	vmul.f32 v10, v5  }
0xf5: {  	v8 =	vmul.f32 v8, v5  }
0xf6: {  	v12 =	vld.idx.msk [tilespmem:v2+s14+$0xC0 ss:$0x1], $0xffff;
	v13 =	vunpack.i.u.bf16.f32 v9;
	[tilespmem:s22+$0xFFFFFF00] =	vst v10  }
0xf7: {  	v11 =	vunpack.i.l.bf16.f32 v9;
	[tilespmem:s22+$0xFFFFFF10] =	vst v8;
	v9 =	vld.idx.msk [tilespmem:v3+s10+$0x0], $0xffff;
	v3 =	vmul.f32 v13, v6;
	v8 =	vunpack.i.l.bf16.f32 v4  }
0xf8: {  	v10 =	vld.idx.msk [tilespmem:v2+s14+$0x10 ss:$0x1], $0xffff;
	v4 =	vunpack.i.u.bf16.f32 v4;
	v8 =	vmul.f32 v8, v7  }
0xf9: {  	[tilespmem:s22+$0xFFFFFF90] =	vst v3;
	v3 =	vmul.f32 v4, v7  }
0xfa: {  	v11 =	vmul.f32 v11, v6;
	[tilespmem:s22+$0x20] =	vst v8  }
0xfb: {  	s17 =	sadd.s32 $0x0, s21;
	v4 =	vunpack.i.l.bf16.f32 v12;
	[tilespmem:s22+$0x30] =	vst v3  }
0xfc: {  	s19 =	sadd.s32 $0x6, s17;
	[tilespmem:s22+$0xFFFFFF80] =	vst v11;
	v3 =	vunpack.i.u.bf16.f32 v12;
	v4 =	vmul.f32 v4, v9;
	v11 =	vld.idx.msk [tilespmem:v2+s14+$0xA0 ss:$0x1], $0xffff  }
0xfd: {  	v13 =	vmov s19;
	v3 =	vmul.f32 v3, v9;
	v12 =	vunpack.i.l.bf16.f32 v10  }
0xfe: {  	v8 =	vld.idx.msk [tilespmem:v2+s14+$0x50 ss:$0x1], $0xffff;
	[tilespmem:s22+$0x80] =	vst v4;
	v4 =	vunpack.i.u.bf16.f32 v10;
	v10 =	vmul.f32 v12, v5;
	v12 =	vand.u32 $0xFFFFFFFE, v13  }
0xff: {  	[tilespmem:s22+$0x90] =	vst v3;
	v3 =	vmul.f32 v4, v5;
	v4 =	vbroadcast v12, $0x0  }
0x100: {  	s24 =	sadd.s32 $0x5, s17;
	s23 =	sadd.s32 $0x4, s17;
	v12 =	vld.idx.msk [tilespmem:v2+s14+$0xD0 ss:$0x1], $0xffff;
	[tilespmem:s22+$0xFFFFFF20] =	vst v10  }
0x101: {  	v15 =	vmov s24;
	v13 =	vmov s23;
	[tilespmem:s22+$0xFFFFFF30] =	vst v3;
	v3 =	vunpack.i.l.bf16.f32 v11  }
0x102: {  	v13 =	vand.u32 $0xFFFFFFFC, v13;
	v11 =	vunpack.i.u.bf16.f32 v11;
	v14 =	vld.idx.msk [tilespmem:v2+s14+$0x20 ss:$0x1], $0xffff;
	v3 =	vmul.f32 v3, v7  }
0x103: {  	s16 =	sadd.s32 $0x100, s14;
	v10 =	vunpack.i.l.bf16.f32 v8;
	v13 =	vbroadcast v13, $0x0;
	v16 =	vmul.f32 v11, v7  }
0x104: {  	v8 =	vunpack.i.u.bf16.f32 v8;
	v10 =	vmul.f32 v10, v6;
	v11 =	vand.u32 $0xFFFFFFFD, v15;
	v15 =	vld.idx.msk [tilespmem:v2+s16+$0x80 ss:$0x1], $0xffff;
	[tilespmem:s22+$0x40] =	vst v3  }
0x105: {  	v8 =	vmul.f32 v8, v6;
	v3 =	vbroadcast v11, $0x0;
	v17 =	vunpack.i.l.bf16.f32 v12;
	[tilespmem:s22+$0x50] =	vst v16;
	v11 =	vld.idx.msk [tilespmem:v4+s10+$0x0], $0xffff  }
0x106: {  	[tilespmem:s22+$0xFFFFFFA0] =	vst v10;
	v4 =	vunpack.i.u.bf16.f32 v12;
	v12 =	vmul.f32 v17, v9;
	v16 =	vld.idx.msk [tilespmem:v2+s14+$0xB0 ss:$0x1], $0xffff  }
0x107: {  	s8 =	sadd.s32 $0x7, s17;
	[tilespmem:s22+$0xFFFFFFB0] =	vst v8;
	v4 =	vmul.f32 v4, v9;
	v10 =	vunpack.i.l.bf16.f32 v14  }
0x108: {  	v18 =	vld.idx.msk [tilespmem:v2+s16+$0x0 ss:$0x1], $0xffff;
	v8 =	vmov s8;
	v14 =	vunpack.i.u.bf16.f32 v14;
	[tilespmem:s22+$0xA0] =	vst v12;
	v17 =	vmul.f32 v10, v5  }
0x109: {  	v12 =	vmul.f32 v14, v5;
	[tilespmem:s22+$0xB0] =	vst v4;
	v10 =	vld.idx.msk [tilespmem:v13+s10+$0x0], $0xffff;
	v4 =	vunpack.i.l.bf16.f32 v15  }
0x10a: {  	v13 =	vld.idx.msk [tilespmem:v2+s16+$0x40 ss:$0x1], $0xffff;
	v14 =	vunpack.i.u.bf16.f32 v15;
	[tilespmem:s22+$0xFFFFFF40] =	vst v17;
	v15 =	vmul.f32 v4, v11  }
0x10b: {  	s23 =	sadd.s32 $0x200, s22;
	[tilespmem:s22+$0xFFFFFF50] =	vst v12;
	v4 =	vld.idx.msk [tilespmem:v3+s10+$0x0], $0xffff;
	v12 =	vmul.f32 v14, v11;
	v3 =	vunpack.i.u.bf16.f32 v16  }
0x10c: {  	v14 =	vld.idx.msk [tilespmem:v2+s16+$0xC0 ss:$0x1], $0xffff;
	v16 =	vunpack.i.l.bf16.f32 v16;
	[tilespmem:s23+$0x0] =	vst v15;
	v15 =	vmul.f32 v3, v7  }
0x10d: {  	v3 =	vld.idx.msk [tilespmem:v8+s10+$0x0], $0xffff;
	v8 =	vunpack.i.l.bf16.f32 v18;
	[tilespmem:s23+$0x10] =	vst v12;
	v7 =	vmul.f32 v16, v7  }
0x10e: {  	v12 =	vunpack.i.u.bf16.f32 v18;
	v16 =	vld.idx.msk [tilespmem:v2+s14+$0x60 ss:$0x1], $0xffff;
	v8 =	vmul.f32 v8, v10;
	[tilespmem:s22+$0x70] =	vst v15  }
0x10f: {  	v12 =	vmul.f32 v12, v10;
	v17 =	vld.idx.msk [tilespmem:v2+s16+$0x90 ss:$0x1], $0xffff;
	v15 =	vunpack.i.l.bf16.f32 v13;
	[tilespmem:s22+$0x60] =	vst v7  }
0x110: {  	v7 =	vunpack.i.u.bf16.f32 v13;
	v13 =	vmul.f32 v15, v4;
	[tilespmem:s23+$0xFFFFFF00] =	vst v8  }
0x111: {  	v8 =	vunpack.i.l.bf16.f32 v14;
	v7 =	vmul.f32 v7, v4;
	[tilespmem:s23+$0xFFFFFF10] =	vst v12  }
0x112: {  	v12 =	vld.idx.msk [tilespmem:v2+s14+$0xE0 ss:$0x1], $0xffff;
	v14 =	vunpack.i.u.bf16.f32 v14;
	v8 =	vmul.f32 v8, v3;
	[tilespmem:s23+$0xFFFFFF80] =	vst v13  }
0x113: {  	v15 =	vld.idx.msk [tilespmem:v2+s16+$0x10 ss:$0x1], $0xffff;
	v13 =	vmul.f32 v14, v3;
	v14 =	vunpack.i.l.bf16.f32 v16;
	[tilespmem:s23+$0xFFFFFF90] =	vst v7  }
0x114: {  	v7 =	vmul.f32 v14, v6;
	v14 =	vunpack.i.l.bf16.f32 v17;
	[tilespmem:s23+$0x80] =	vst v8  }
0x115: {  	v8 =	vunpack.i.u.bf16.f32 v17;
	v14 =	vmul.f32 v14, v11;
	[tilespmem:s23+$0x90] =	vst v13;
	v13 =	vld.idx.msk [tilespmem:v2+s14+$0x30 ss:$0x1], $0xffff  }
0x116: {  	v16 =	vunpack.i.u.bf16.f32 v16;
	v8 =	vmul.f32 v8, v11;
	[tilespmem:s22+$0xFFFFFFC0] =	vst v7  }
0x117: {  	s0 =	sadd.s32 $0x4, s21;
	v16 =	vmul.f32 v16, v6;
	v7 =	vunpack.i.l.bf16.f32 v12;
	[tilespmem:s23+$0x20] =	vst v14  }
0x118: {  	s12 =	sadd.s32 $0x6, s0;
	v12 =	vunpack.i.u.bf16.f32 v12;
	v7 =	vmul.f32 v7, v9;
	v14 =	vld.idx.msk [tilespmem:v2+s16+$0x50 ss:$0x1], $0xffff;
	v17 =	vunpack.i.l.bf16.f32 v15;
	[tilespmem:s23+$0x30] =	vst v8  }
0x119: {  	[tilespmem:s22+$0xFFFFFFD0] =	vst v16;
	v16 =	vmov s12;
	v8 =	vunpack.i.u.bf16.f32 v15;
	v15 =	vmul.f32 v17, v10;
	v17 =	vld.idx.msk [tilespmem:v2+s16+$0xA0 ss:$0x1], $0xffff  }
0x11a: {  	v12 =	vmul.f32 v12, v9;
	v16 =	vand.u32 $0xFFFFFFFE, v16;
	[tilespmem:s22+$0xC0] =	vst v7;
	v7 =	vunpack.i.l.bf16.f32 v13  }
0x11b: {  	v8 =	vmul.f32 v8, v10;
	[tilespmem:s23+$0xFFFFFF20] =	vst v15;
	v13 =	vunpack.i.u.bf16.f32 v13;
	v15 =	vld.idx.msk [tilespmem:v2+s16+$0xD0 ss:$0x1], $0xffff;
	v7 =	vmul.f32 v7, v5  }
0x11c: {  	s19 =	sadd.s32 $0x5, s0;
	[tilespmem:s22+$0xD0] =	vst v12;
	v5 =	vmul.f32 v13, v5;
	v13 =	vbroadcast v16, $0x0  }
0x11d: {  	v18 =	vmov s19;
	[tilespmem:s23+$0xFFFFFF30] =	vst v8;
	v8 =	vunpack.i.l.bf16.f32 v14;
	v14 =	vunpack.i.u.bf16.f32 v14  }
0x11e: {  	s17 =	sadd.s32 $0x4, s0;
	v12 =	vld.idx.msk [tilespmem:v2+s16+$0x20 ss:$0x1], $0xffff;
	[tilespmem:s22+$0xFFFFFF60] =	vst v7;
	v7 =	vmul.f32 v8, v4;
	v14 =	vmul.f32 v14, v4;
	v8 =	vunpack.i.l.bf16.f32 v17  }
0x11f: {  	v16 =	vld.idx.msk [tilespmem:v2+s14+$0x70 ss:$0x1], $0xffff;
	[tilespmem:s22+$0xFFFFFF70] =	vst v5;
	v5 =	vunpack.i.u.bf16.f32 v17;
	v17 =	vmov s17;
	v8 =	vmul.f32 v8, v11  }
0x120: {  	s17 =	sadd.s32 $0x100, s16;
	[tilespmem:s23+$0xFFFFFFA0] =	vst v7;
	v5 =	vmul.f32 v5, v11;
	v7 =	vand.u32 $0xFFFFFFFC, v17;
	v17 =	vunpack.i.l.bf16.f32 v15  }
0x121: {  	s8 =	sadd.s32 $0x7, s0;
	v7 =	vbroadcast v7, $0x0;
	[tilespmem:s23+$0x40] =	vst v8;
	v8 =	vunpack.i.u.bf16.f32 v15;
	v15 =	vmul.f32 v17, v3;
	v17 =	vld.idx.msk [tilespmem:v2+s17+$0x80 ss:$0x1], $0xffff  }
0x122: {  	v20 =	vmov s8;
	v18 =	vand.u32 $0xFFFFFFFD, v18;
	[tilespmem:s23+$0x50] =	vst v5;
	v5 =	vld.idx.msk [tilespmem:v13+s10+$0x0], $0xffff  }
0x123: {  	[tilespmem:s23+$0xFFFFFFB0] =	vst v14;
	v14 =	vbroadcast v18, $0x0;
	v13 =	vunpack.i.l.bf16.f32 v12;
	v8 =	vmul.f32 v8, v3;
	v18 =	vld.idx.msk [tilespmem:v2+s16+$0xB0 ss:$0x1], $0xffff  }
0x124: {  	v19 =	vunpack.i.l.bf16.f32 v16;
	v12 =	vunpack.i.u.bf16.f32 v12;
	v13 =	vmul.f32 v13, v10;
	[tilespmem:s23+$0xA0] =	vst v15;
	v15 =	vld.idx.msk [tilespmem:v2+s14+$0xF0 ss:$0x1], $0xffff  }
0x125: {  	v12 =	vmul.f32 v12, v10;
	[tilespmem:s23+$0xB0] =	vst v8;
	v8 =	vunpack.i.u.bf16.f32 v16;
	v16 =	vmul.f32 v19, v6;
	v19 =	vld.idx.msk [tilespmem:v2+s17+$0x0 ss:$0x1], $0xffff  }
0x126: {  	[tilespmem:s23+$0xFFFFFF40] =	vst v13;
	v13 =	vld.idx.msk [tilespmem:v2+s17+$0x40 ss:$0x1], $0xffff  }
0x127: {  	[tilespmem:s23+$0xFFFFFF50] =	vst v12;
	v8 =	vmul.f32 v8, v6;
	v21 =	vunpack.i.l.bf16.f32 v17;
	v6 =	vld.idx.msk [tilespmem:v7+s10+$0x0], $0xffff  }
0x128: {  	v7 =	vunpack.i.u.bf16.f32 v17;
	[tilespmem:s22+$0xFFFFFFE0] =	vst v16;
	v16 =	vld.idx.msk [tilespmem:v2+s17+$0xC0 ss:$0x1], $0xffff;
	v12 =	vmul.f32 v21, v5  }
0x129: {  	s19 =	sadd.s32 $0x200, s23;
	v17 =	vmul.f32 v7, v5;
	v7 =	vunpack.i.u.bf16.f32 v18;
	[tilespmem:s22+$0xFFFFFFF0] =	vst v8;
	v8 =	vld.idx.msk [tilespmem:v14+s10+$0x0], $0xffff  }
0x12a: {  	v14 =	vunpack.i.l.bf16.f32 v18;
	v18 =	vunpack.i.l.bf16.f32 v15;
	[tilespmem:s19+$0x0] =	vst v12;
	v12 =	vmul.f32 v7, v11;
	v7 =	vld.idx.msk [tilespmem:v20+s10+$0x0], $0xffff  }
0x12b: {  	[tilespmem:s19+$0x10] =	vst v17;
	v11 =	vmul.f32 v14, v11;
	v14 =	vmul.f32 v18, v9;
	v18 =	vld.idx.msk [tilespmem:v2+s16+$0x60 ss:$0x1], $0xffff  }
0x12c: {  	v17 =	vunpack.i.l.bf16.f32 v19;
	v20 =	vld.idx.msk [tilespmem:v2+s17+$0x90 ss:$0x1], $0xffff;
	[tilespmem:s23+$0x70] =	vst v12  }
0x12d: {  	v12 =	vunpack.i.u.bf16.f32 v19;
	v19 =	vld.idx.msk [tilespmem:v2+s16+$0xE0 ss:$0x1], $0xffff;
	v17 =	vmul.f32 v17, v6;
	[tilespmem:s23+$0x60] =	vst v11;
	v11 =	vunpack.i.l.bf16.f32 v13  }
0x12e: {  	[tilespmem:s22+$0xE0] =	vst v14;
	v14 =	vunpack.i.u.bf16.f32 v15;
	v13 =	vunpack.i.u.bf16.f32 v13;
	v12 =	vmul.f32 v12, v6  }
0x12f: {  	v15 =	vld.idx.msk [tilespmem:v2+s16+$0x30 ss:$0x1], $0xffff;
	v11 =	vmul.f32 v11, v8;
	v9 =	vmul.f32 v14, v9;
	v14 =	vunpack.i.l.bf16.f32 v16;
	[tilespmem:s19+$0xFFFFFF00] =	vst v17  }
0x130: {  	v13 =	vmul.f32 v13, v8;
	[tilespmem:s19+$0xFFFFFF10] =	vst v12;
	v12 =	vunpack.i.u.bf16.f32 v16;
	v14 =	vmul.f32 v14, v7  }
0x131: {  	v16 =	vunpack.i.l.bf16.f32 v18;
	[tilespmem:s19+$0xFFFFFF80] =	vst v11;
	v11 =	vmul.f32 v12, v7;
	v12 =	vunpack.i.u.bf16.f32 v18  }
0x132: {  	[tilespmem:s19+$0xFFFFFF90] =	vst v13;
	v18 =	vld.idx.msk [tilespmem:v2+s17+$0x10 ss:$0x1], $0xffff;
	v17 =	vmul.f32 v16, v4;
	v63 =	vunpack.i.l.bf16.f32 v20;
	v13 =	vunpack.i.u.bf16.f32 v19  }
0x133: {  	v19 =	vunpack.i.l.bf16.f32 v19;
	v16 =	vmul.f32 v12, v4;
	v12 =	vunpack.i.u.bf16.f32 v20;
	[tilespmem:s19+$0x90] =	vst v11  }
0x134: {  	s24 =	smul.u32 $0xA000, s20;
	v20 =	vmul.f32 v63, v5;
	v11 =	vunpack.i.l.bf16.f32 v15;
	[tilespmem:s23+$0xFFFFFFC0] =	vst v17;
	v17 =	vunpack.i.u.bf16.f32 v15;
	v15 =	vld.idx.msk [tilespmem:v2+s17+$0x50 ss:$0x1], $0xffff  }
0x135: {  	[tilespmem:s19+$0x80] =	vst v14;
	v14 =	vmul.f32 v19, v3;
	v19 =	vmul.f32 v12, v5  }
0x136: {  	s8 =	sshrl.u32 s24, $0x2;
	v13 =	vmul.f32 v13, v3;
	v12 =	vmul.f32 v11, v10;
	[tilespmem:s19+$0x20] =	vst v20  }
0x137: {  	s20 =	sadd.s32 $0x3F70, s8;
	s8 =	simm.s32 $0x8;
	v11 =	vld.idx.msk [tilespmem:v2+s17+$0xD0 ss:$0x1], $0xffff;
	v10 =	vmul.f32 v17, v10;
	[tilespmem:s19+$0x30] =	vst v19;
	v17 =	vunpack.i.u.bf16.f32 v18;
	v18 =	vunpack.i.l.bf16.f32 v18  }
.LBB2_5:
0x138: {  	s9 =	sadd.s32 s8, s21;
	v18 =	vmul.f32 v18, v6;
	v17 =	vmul.f32 v17, v6;
	v19 =	vld.idx.msk [tilespmem:v2+s17+$0xA0 ss:$0x1], $0xffff;
	[tilespmem:s23+$0xFFFFFFD0] =	vst v16  }
0x139: {  	v16 =	vunpack.i.u.bf16.f32 v15;
	v15 =	vunpack.i.l.bf16.f32 v15;
	s12 =	sadd.s32 $0x4, s9;
	s0 =	sadd.s32 $0x5, s9;
	s24 =	sadd.s32 $0x6, s9;
	v20 =	vld.idx.msk [tilespmem:v2+s16+$0x70 ss:$0x1], $0xffff;
	[tilespmem:s23+$0xC0] =	vst v14  }
0x13a: {  	v14 =	vmov s12;
	v21 =	vmov s0;
	v22 =	vmov s24;
	s0 =	sadd.s32 $0x7, s9;
	[tilespmem:s19+$0xFFFFFF20] =	vst v18  }
0x13b: {  	v14 =	vand.u32 $0xFFFFFFFC, v14;
	v18 =	vand.u32 $0xFFFFFFFD, v21;
	v21 =	vand.u32 $0xFFFFFFFE, v22;
	[tilespmem:s19+$0xFFFFFF30] =	vst v17  }
0x13c: {  	s8 =	sadd.s32 $0x4, s8;
	v14 =	vbroadcast v14, $0x0;
	v17 =	vbroadcast v21, $0x0;
	v21 =	vmov s0;
	v22 =	vld.idx.msk [tilespmem:v2+s17+$0x20 ss:$0x1], $0xffff;
	[tilespmem:s23+$0xD0] =	vst v13  }
0x13d: {  	p2 =	slt.u32 s8, $0x4C;
	v13 =	vbroadcast v18, $0x0;
	v18 =	vunpack.i.u.bf16.f32 v11;
	v11 =	vunpack.i.l.bf16.f32 v11;
	[tilespmem:s23+$0xFFFFFF60] =	vst v12;
	v12 =	vld.idx.msk [tilespmem:v2+s16+$0xF0 ss:$0x1], $0xffff;
	s16 =	smov.u32 s17  }
0x13e: {  	v15 =	vmul.f32 v15, v8;
	v16 =	vmul.f32 v16, v8;
	v23 =	vunpack.i.l.bf16.f32 v19;
	[tilespmem:s23+$0xFFFFFF70] =	vst v10  }
0x13f: {  	v11 =	vmul.f32 v11, v7;
	v10 =	vunpack.i.u.bf16.f32 v19;
	v19 =	vmul.f32 v23, v5;
	[tilespmem:s22+$0xF0] =	vst v9;
	s22 =	smov.u32 s23;
	s23 =	smov.u32 s19  }
0x140: {  	s17 =	sadd.s32 $0x100, s17;
	v9 =	vmul.f32 v10, v5;
	v10 =	vmul.f32 v18, v7;
	[tilespmem:s19+$0xFFFFFFA0] =	vst v15;
	v15 =	vunpack.i.u.bf16.f32 v20  }
0x141: {  	v18 =	vld.idx.msk [tilespmem:v2+s17+$0x80 ss:$0x1], $0xffff;
	[tilespmem:s19+$0x40] =	vst v19;
	v19 =	vunpack.i.l.bf16.f32 v20;
	v15 =	vmul.f32 v15, v4  }
0x142: {  	v20 =	vunpack.i.u.bf16.f32 v22;
	v22 =	vunpack.i.l.bf16.f32 v22;
	v17 =	vld.idx.msk [tilespmem:v17+s10+$0x0], $0xffff;
	[tilespmem:s19+$0x50] =	vst v9;
	v19 =	vmul.f32 v19, v4;
	v4 =	vmovc v8  }
0x143: {  	v8 =	vmul.f32 v22, v6;
	v20 =	vmul.f32 v20, v6;
	v9 =	vunpack.i.u.bf16.f32 v12;
	[tilespmem:s19+$0xFFFFFFB0] =	vst v16;
	v16 =	vld.idx.msk [tilespmem:v2+s16+$0xB0 ss:$0x1], $0xffff  }
0x144: {  	v9 =	vmul.f32 v9, v3;
	v22 =	vld.idx.msk [tilespmem:v2+s17+$0x0 ss:$0x1], $0xffff;
	[tilespmem:s19+$0xA0] =	vst v11;
	v11 =	vunpack.i.l.bf16.f32 v12  }
0x145: {  	v12 =	vld.idx.msk [tilespmem:v2+s17+$0x40 ss:$0x1], $0xffff;
	[tilespmem:s19+$0xB0] =	vst v10;
	v10 =	vmul.f32 v11, v3;
	v3 =	vmov v7  }
0x146: {  	v11 =	vld.idx.msk [tilespmem:v2+s17+$0xC0 ss:$0x1], $0xffff;
	[tilespmem:s19+$0xFFFFFF40] =	vst v8  }
0x147: {  	v7 =	vunpack.i.l.bf16.f32 v18;
	v23 =	vld.idx.msk [tilespmem:v14+s10+$0x0], $0xffff;
	[tilespmem:s19+$0xFFFFFF50] =	vst v20  }
0x148: {  	v14 =	vmul.f32 v7, v17;
	v8 =	vld.idx.msk [tilespmem:v13+s10+$0x0], $0xffff;
	v13 =	vunpack.i.u.bf16.f32 v18;
	[tilespmem:s22+$0xFFFFFFE0] =	vst v19  }
0x149: {  	s19 =	sadd.s32 $0x200, s19;
	v18 =	vunpack.i.u.bf16.f32 v16;
	v16 =	vunpack.i.l.bf16.f32 v16;
	v13 =	vmul.f32 v13, v17;
	v7 =	vld.idx.msk [tilespmem:v21+s10+$0x0], $0xffff;
	[tilespmem:s22+$0xFFFFFFF0] =	vst v15  }
0x14a: {  	v15 =	vunpack.i.u.bf16.f32 v22;
	v19 =	vunpack.i.l.bf16.f32 v22;
	v18 =	vmul.f32 v18, v5;
	[tilespmem:s19+$0x0] =	vst v14;
	v14 =	vld.idx.msk [tilespmem:v2+s16+$0x60 ss:$0x1], $0xffff  }
0x14b: {  	v20 =	vunpack.i.u.bf16.f32 v12;
	v12 =	vunpack.i.l.bf16.f32 v12;
	[tilespmem:s19+$0x10] =	vst v13;
	v13 =	vmul.f32 v16, v5;
	v16 =	vld.idx.msk [tilespmem:v2+s16+$0xE0 ss:$0x1], $0xffff;
	v5 =	vmovc v17  }
0x14c: {  	v17 =	vunpack.i.u.bf16.f32 v11;
	v11 =	vunpack.i.l.bf16.f32 v11;
	v21 =	vld.idx.msk [tilespmem:v2+s16+$0x30 ss:$0x1], $0xffff;
	[tilespmem:s23+$0x70] =	vst v18  }
0x14d: {  	v18 =	vmul.f32 v19, v23;
	v15 =	vmul.f32 v15, v23;
	v19 =	vld.idx.msk [tilespmem:v2+s17+$0x90 ss:$0x1], $0xffff;
	[tilespmem:s23+$0x60] =	vst v13  }
0x14e: {  	v12 =	vmul.f32 v12, v8;
	v13 =	vmul.f32 v20, v8;
	[tilespmem:s22+$0xE0] =	vst v10  }
0x14f: {  	v10 =	vmul.f32 v11, v7;
	v11 =	vmul.f32 v17, v7;
	[tilespmem:s19+$0xFFFFFF00] =	vst v18  }
0x150: {  	[tilespmem:s19+$0xFFFFFF10] =	vst v15;
	v15 =	vunpack.i.u.bf16.f32 v14;
	v14 =	vunpack.i.l.bf16.f32 v14  }
0x151: {  	v18 =	vld.idx.msk [tilespmem:v2+s17+$0x10 ss:$0x1], $0xffff;
	[tilespmem:s19+$0xFFFFFF80] =	vst v12;
	v17 =	vmul.f32 v14, v4;
	v12 =	vunpack.i.u.bf16.f32 v16;
	v14 =	vunpack.i.l.bf16.f32 v16  }
0x152: {  	v20 =	vunpack.i.u.bf16.f32 v21;
	v16 =	vmul.f32 v15, v4;
	[tilespmem:s19+$0xFFFFFF90] =	vst v13;
	v14 =	vmul.f32 v14, v3  }
.Ltmp5:
0x153: {  	v22 =	vunpack.i.l.bf16.f32 v19;
	v13 =	vmul.f32 v12, v3;
	v15 =	vld.idx.msk [tilespmem:v2+s17+$0x50 ss:$0x1], $0xffff;
	[tilespmem:s19+$0x80] =	vst v10;
	v10 =	vunpack.i.l.bf16.f32 v21;
	(pc) =	sbr.rel @p2 .LBB2_5-.Ltmp5, $4  }
0x154: {  	v19 =	vunpack.i.u.bf16.f32 v19;
	v21 =	vmul.f32 v22, v5;
	[tilespmem:s19+$0x90] =	vst v11;
	v12 =	vmul.f32 v10, v6  }
0x155: {  	v19 =	vmul.f32 v19, v5;
	v10 =	vmul.f32 v20, v6;
	v6 =	vmov v23;
	v11 =	vld.idx.msk [tilespmem:v2+s17+$0xD0 ss:$0x1], $0xffff;
	[tilespmem:s23+$0xFFFFFFC0] =	vst v17  }
0x156: {  	[tilespmem:s19+$0x20] =	vst v21  }
0x157: {  	v17 =	vunpack.i.u.bf16.f32 v18;
	v18 =	vunpack.i.l.bf16.f32 v18;
	[tilespmem:s19+$0x30] =	vst v19  }
0x158: {  	[tilespmem:s23+$0xFFFFFFD0] =	vst v16  }
0x159: {  	[tilespmem:s23+$0xC0] =	vst v14  }
0x15a: {  	[tilespmem:s23+$0xD0] =	vst v13  }
0x15b: {  	[tilespmem:s23+$0xFFFFFF60] =	vst v12  }
0x15c: {  	v18 =	vmul.f32 v18, v6;
	v29 =	vld.idx.msk [tilespmem:v2+s17+$0xA0 ss:$0x1], $0xffff;
	[tilespmem:s23+$0xFFFFFF70] =	vst v10  }
0x15d: {  	v28 =	vmul.f32 v17, v6;
	v30 =	vunpack.i.l.bf16.f32 v15;
	[tilespmem:s22+$0xF0] =	vst v9  }
0x15e: {  	v31 =	vunpack.i.u.bf16.f32 v15;
	v13 =	vmul.f32 v30, v8;
	v34 =	vld.idx.msk [tilespmem:v2+s16+$0x70 ss:$0x1], $0xffff;
	[tilespmem:s19+$0xFFFFFF20] =	vst v18  }
0x15f: {  	v12 =	vmul.f32 v31, v8;
	[tilespmem:s19+$0xFFFFFF30] =	vst v28;
	v33 =	vunpack.i.l.bf16.f32 v11  }
0x160: {  	v35 =	vunpack.i.u.bf16.f32 v11;
	v32 =	vld.idx.msk [tilespmem:v2+s17+$0x20 ss:$0x1], $0xffff;
	v10 =	vmul.f32 v33, v7;
	[tilespmem:s19+$0xFFFFFFA0] =	vst v13  }
0x161: {  	v11 =	vmul.f32 v35, v7;
	[tilespmem:s19+$0xFFFFFFB0] =	vst v12;
	v36 =	vunpack.i.l.bf16.f32 v29  }
0x162: {  	v38 =	vld.idx.msk [tilespmem:v2+s17+$0x60 ss:$0x1], $0xffff;
	v37 =	vunpack.i.u.bf16.f32 v29;
	[tilespmem:s19+$0xA0] =	vst v10;
	v13 =	vmul.f32 v36, v5  }
0x163: {  	[tilespmem:s19+$0xB0] =	vst v11;
	v12 =	vmul.f32 v37, v5;
	v43 =	vunpack.i.l.bf16.f32 v34  }
0x164: {  	v42 =	vld.idx.msk [tilespmem:v2+s17+$0xE0 ss:$0x1], $0xffff;
	v9 =	vunpack.i.u.bf16.f32 v34;
	v44 =	vmul.f32 v43, v4;
	[tilespmem:s19+$0x40] =	vst v13  }
0x165: {  	v46 =	vmul.f32 v9, v4;
	v39 =	vunpack.i.l.bf16.f32 v32;
	[tilespmem:s19+$0x50] =	vst v12  }
0x166: {  	v48 =	vld.idx.msk [tilespmem:v2+s16+$0xF0 ss:$0x1], $0xffff;
	v40 =	vunpack.i.u.bf16.f32 v32;
	v41 =	vmul.f32 v39, v6;
	[tilespmem:s23+$0xFFFFFFE0] =	vst v44  }
0x167: {  	v11 =	vmul.f32 v40, v6;
	v47 =	vunpack.i.l.bf16.f32 v38;
	[tilespmem:s23+$0xFFFFFFF0] =	vst v46  }
0x168: {  	v45 =	vld.idx.msk [tilespmem:v2+s17+$0xB0 ss:$0x1], $0xffff;
	v10 =	vunpack.i.u.bf16.f32 v38;
	v9 =	vmul.f32 v47, v8;
	[tilespmem:s19+$0xFFFFFF40] =	vst v41  }
0x169: {  	v10 =	vmul.f32 v10, v8;
	[tilespmem:s19+$0xFFFFFF50] =	vst v11;
	v50 =	vunpack.i.l.bf16.f32 v42  }
0x16a: {  	v51 =	vunpack.i.u.bf16.f32 v42;
	v49 =	vld.idx.msk [tilespmem:v2+s17+$0x30 ss:$0x1], $0xffff;
	v12 =	vmul.f32 v50, v7;
	[tilespmem:s19+$0xFFFFFFC0] =	vst v9  }
0x16b: {  	v55 =	vunpack.i.l.bf16.f32 v48;
	v13 =	vmul.f32 v51, v7;
	[tilespmem:s19+$0xFFFFFFD0] =	vst v10  }
0x16c: {  	v60 =	vunpack.i.u.bf16.f32 v48;
	v57 =	vmul.f32 v55, v3;
	v54 =	vld.idx.msk [tilespmem:v2+s17+$0x70 ss:$0x1], $0xffff;
	[tilespmem:s19+$0xC0] =	vst v12  }
0x16d: {  	v3 =	vmul.f32 v60, v3;
	v52 =	vunpack.i.u.bf16.f32 v45;
	[tilespmem:s19+$0xD0] =	vst v13  }
0x16e: {  	[tilespmem:s23+$0xE0] =	vst v57;
	v53 =	vunpack.i.l.bf16.f32 v45;
	v9 =	vmul.f32 v52, v5;
	v2 =	vld.idx.msk [tilespmem:v2+s17+$0xF0 ss:$0x1], $0xffff  }
0x16f: {  	p2 =	seq.s32 s15, $0x0;
	[tilespmem:s23+$0xF0] =	vst v3;
	v56 =	vmul.f32 v53, v5;
	v58 =	vunpack.i.l.bf16.f32 v49  }
0x170: {  	s0 =	sadd.s32 @!p2 $0xFFFFFFFF, s15;
	[tilespmem:s19+$0x70] =	vst v9;
	v4 =	vunpack.i.u.bf16.f32 v49;
	v59 =	vmul.f32 v58, v6  }
0x171: {  	s8 =	smulhi.u32 @!p2 $0xAAAAAAAB, s0;
	[tilespmem:s19+$0x60] =	vst v56;
	v4 =	vmul.f32 v4, v6;
	v61 =	vunpack.i.l.bf16.f32 v54  }
0x172: {  	v62 =	vunpack.i.u.bf16.f32 v54;
	v5 =	vmul.f32 v61, v8;
	[tilespmem:s19+$0xFFFFFF60] =	vst v59  }
0x173: {  	s8 =	sshrl.u32 @!p2 s8, $0x1;
	v3 =	vmul.f32 v62, v8;
	[tilespmem:s19+$0xFFFFFF70] =	vst v4;
	v63 =	vunpack.i.l.bf16.f32 v2  }
0x174: {  	s8 =	smul.u32 @!p2 $0x3, s8;
	v2 =	vunpack.i.u.bf16.f32 v2;
	v4 =	vmul.f32 v63, v7;
	[tilespmem:s19+$0xFFFFFFE0] =	vst v5  }
0x175: {  	v2 =	vmul.f32 v2, v7;
	[tilespmem:s19+$0xFFFFFFF0] =	vst v3  }
0x176: {  	s0 =	ssub.s32 @!p2 s0, s8;
	[tilespmem:s19+$0xE0] =	vst v4  }
0x177: {  	p3 =	sgt.u32 @!p2 s15, $0x79;
	s8 =	sadd.s32 @!p2 $0x5, s0;
	[tilespmem:s19+$0xF0] =	vst v2  }
0x178: {  	p3 =	por p2, !p3;
	_ =	swait.ge @!p2 [sflag:s8], $0x2800  }
.Ltmp6:
0x179: {  	[sflag:s8] =	ssyncset.done @!p2 $0x0;
	(pc) =	sbr.rel @!p3 .LBB2_8-.Ltmp6, $4  }
0x17a: {  	s0 =	sor.u32 @!p2 $0x8, s0;
	[sflag:s8] =	ssyncadd.s32 @!p2 $0xFFFFD800  }
0x17b: {  	_ =	swait.ge @!p2 [sflag:s0], $0x500  }
0x17c: {  	[sflag:s0] =	ssyncset.done @!p2 $0x0  }
0x17d: {  	[sflag:s0] =	ssyncadd.s32 @!p2 $0xFFFFFB00  }
0x17e: {  	s0 =	sadd.s32 @!p2 $0x3, s15  }
0x17f: {  	s0 =	simm.s32 @p2 $0x3  }
0x180: {  	s8 =	smul.u32 $0xAB, s0;
	_ =	sdelay $0x1  }
0x181: {  	s8 =	sshrl.u32 s8, $0x9  }
0x182: {  	s8 =	sand.u32 $0x7F, s8  }
0x183: {  	s8 =	smul.u32 $0x3, s8  }
0x184: {  	s9 =	smul.u32 $0x50, s0  }
0x185: {  	s12 =	sand.u32 $0x1, s0;
	s16 =	sand.u32 $0x3, s0;
	s0 =	ssub.s32 s0, s8  }
0x186: {  	s16 =	smul.u32 $0x280, s16;
	s9 =	sadd.s32 s7, s9;
	s0 =	sand.u32 $0xFF, s0  }
0x187: {  	s22 =	sadd.s32 $0x3, s12;
	s9 =	sshrl.u32 s9, $0x3;
	s0 =	smul.u32 $0x140, s0  }
.Ltmp7:
0x188: {  	s23 =	sshrl.u32 s16, $0x2;
	s24 =	sadd.s32 s1, s9;
	(pc) =	sbr.rel .LBB2_8-.Ltmp7, $4  }
0x189: {  	[tilespmem:s23], [sflag:s22] =	stream.strided.gather [hbm4b:s24+s28], $0xA0, s29, s28, $0x38;
	[tilespmem:$0x1F900] =	vst v63  }
0x18a: {  	s0 =	sshrl.u32 s0, $0x2  }
0x18b: {  	s9 =	sadd.s32 s2, s9;
	s0 =	sadd.s32 $0x280, s0  }
0x18c: {  	[tilespmem:s0], [sflag:s22] =	stream.linear.gather [hbm4b:s9+s6], $0x50, $0x38;
	[tilespmem:$0x1F900] =	vst v63  }
.LBB2_10:
0x18d: {  	_ =	sfence.sel $0x180000  }
0x18e: {  	[bflag:$0x0] =	sbarrier.arrive $0xFFFF  }
0x18f: {  	_ =	strace $0x90000047  }
0x190: {  	s0 =	stileid.u32;
	[bflag:$0x2] =	sbarrier.arrive $0xFFFF  }
0x191: {  	p0 =	sne.s32 s0, $0x0;
	s0 =	rddreg [dreg:$0x5]  }
0x192: {  	s0 =	sadd.s32 @!p0 $0x100000, s0  }
0x193: {  	[sflag:s0] =	ssyncadd.tile.s32 @!p0 $0x1;
	_ =	shalt  }
.Lfunc_end2:
_tile_overlayer_lowered:
.L_overlay_start_2:
0x194: {  	(tag) =	ssettag $0x2  }
0x195: {  	s0 =	rddreg [dreg:$0x0];
	s2 =	stileid.u32  }
0x196: {  	s1 =	rddreg [dreg:$0x1];
	p0 =	sne.s32 s2, $0x0  }
0x197: {  	s3 =	rddreg [dreg:$0x2];
	[bflag:$0x3] =	sbarrier.arrive $0xFFFF;
	s2 =	simm.s32 @!p0 $0x1C0B  }
0x198: {  	[timem:s3], [sflag:s2] =	dma.local @!p0 [hbm:s0], s1  }
0x199: {  	s0 =	simm.s32 @!p0 $0xB  }
0x19a: {  	_ =	swait.ge @!p0 [sflag:s0], s1  }
0x19b: {  	s1 =	ssub.s32 @!p0 $0x0, s1;
	[sflag:s0] =	ssyncset.done @!p0 $0x0  }
0x19c: {  	[sflag:s0] =	ssyncadd.s32 @!p0 s1  }
0x19d: {  	[bflag:$0x3] =	sbarrier.arrive $0xFFFF  }
0x19e: {  	_ =	shalt  }

</sc_bundles>
